<compile_context>
chip_gen: v7x
topology: tpu7x:2x2x1
jax: 0.10.2.dev20260603
libtpu: 0.0.44.dev20260713+nightly
codegen_flags: <defaults>
</compile_context>

<pallas_src>
import functools
import math

import jax
import jax.numpy as jnp
from jax import lax
from jax.experimental import pallas as pl
from jax.experimental.pallas import tpu as pltpu
from jax.experimental.pallas import tpu_sc as plsc

_EMB_SCALE = math.sqrt(128.0)

_NC = 2
_NS = 16
_NW = _NC * _NS
_CHUNK = 80
_LANES = 16


def _sc_gather_scale(table, tokens_flat):
    b = tokens_flat.shape[0]
    v, d = table.shape
    assert b % (_NW * _CHUNK) == 0
    b_per_w = b // _NW
    n_chunks = b_per_w // _CHUNK

    mesh = plsc.VectorSubcoreMesh(core_axis_name="c", subcore_axis_name="s")

    def _scale_chunk(buf):
        @pl.loop(0, _CHUNK)
        def _(r):
            for c0 in range(0, d, _LANES):
                buf[r, pl.ds(c0, _LANES)] = (
                    buf[r, pl.ds(c0, _LANES)] * _EMB_SCALE)

    nbuf = 8
    rem = n_chunks % nbuf
    main = n_chunks - rem

    @functools.partial(
        pl.kernel,
        mesh=mesh,
        out_type=jax.ShapeDtypeStruct((b, d), jnp.float32),
        scratch_types=(
            [pltpu.VMEM((b_per_w,), jnp.int32)]
            + [pltpu.VMEM((_CHUNK, d), jnp.float32)] * nbuf
            + [pltpu.SemaphoreType.DMA] * (2 * nbuf)
        ),
    )
    def k(tab_hbm, tok_hbm, out_hbm, idx_v, *scratch):
        bufs = scratch[:nbuf]
        gsem = scratch[nbuf:2 * nbuf]
        osem = scratch[2 * nbuf:]
        wid = lax.axis_index("s") * _NC + lax.axis_index("c")
        base = wid * b_per_w
        pltpu.sync_copy(tok_hbm.at[pl.ds(base, b_per_w)], idx_v)

        def gather(chunk, j):
            pltpu.async_copy(
                tab_hbm.at[idx_v.at[pl.ds(chunk * _CHUNK, _CHUNK)]],
                bufs[j], gsem[j])

        def wait_gather(j):
            pltpu.make_async_copy(
                tab_hbm.at[idx_v.at[pl.ds(0, _CHUNK)]], bufs[j],
                gsem[j]).wait()

        def writeout(chunk, j):
            pltpu.async_copy(
                bufs[j], out_hbm.at[pl.ds(base + chunk * _CHUNK, _CHUNK)],
                osem[j])

        def wait_writeout(j):
            pltpu.make_async_copy(
                bufs[j], out_hbm.at[pl.ds(base, _CHUNK)], osem[j]).wait()

        for j in range(nbuf):
            gather(j, j)

        @pl.loop(0, main, step=nbuf)
        def _(c):
            for j in range(nbuf):
                wait_gather(j)
                _scale_chunk(bufs[j])
                writeout(c + j, j)
                @pl.when(c + j + nbuf < n_chunks)
                def _():
                    wait_writeout(j)
                    gather(c + j + nbuf, j)

        for j in range(rem):
            wait_gather(j)
            _scale_chunk(bufs[j])
            writeout(main + j, j)

        for j in range(nbuf):
            wait_writeout(j)

    return k(table, tokens_flat)


@jax.jit
def kernel(tokens, table):
    n, s = tokens.shape
    tokens_perm = tokens.T.reshape(n * s).astype(jnp.int32)
    out = _sc_gather_scale(table, tokens_perm)
    return out.reshape(s, n, table.shape[1]).transpose(1, 0, 2)

# --- scband reference (transcript-rebuilt; emitter-appended) ---
"""Pipeline reference for scband-token-embedding-13494787244117 (READ-ONLY COPY).

The authoritative reference and input builder live on the scoring server;
editing this copy changes nothing except your own understanding.
"""

import jax, jax.numpy as jnp
import numpy as np
import math

VOCAB = 100000
EMBED_DIM = 128
SCALE = math.sqrt(EMBED_DIM)

def setup_inputs(seed: int = 0) -> dict:
    key = jax.random.key(seed)
    k1, k2 = jax.random.split(key)
    tokens = jax.random.randint(k1, (4096, 50), 0, VOCAB, dtype=jnp.int64 if jax.config.jax_enable_x64 else jnp.int32)
    table = jax.random.normal(k2, (VOCAB, EMBED_DIM), dtype=jnp.float32)
    return {"tokens": tokens, "table": table}

def reference(tokens, table):
    # nn.Embedding lookup followed by sqrt(d) scaling
    emb = jnp.take(table, tokens, axis=0)
    return emb * SCALE

if __name__ == "__main__":
    import jax
    _d = setup_inputs()
    print(jax.jit(kernel)(*tuple(_d.values())))

</pallas_src>

<mosaic_0001>
#map = affine_map<(d0, d1) -> (0, 0)>
#map1 = affine_map<(d0, d1) -> (0)>
module attributes {stable_mosaic.version = 14 : i64} {
  func.func @k(%arg0: i32, %arg1: i32, %arg2: memref<100000x128xf32, #tpu.memory_space<hbm>>, %arg3: memref<204800xi32, #tpu.memory_space<hbm>>, %arg4: memref<204800x128xf32, #tpu.memory_space<hbm>>, %arg5: memref<6400xi32, #tpu.memory_space<vmem>>, %arg6: memref<80x128xf32, #tpu.memory_space<vmem>>, %arg7: memref<80x128xf32, #tpu.memory_space<vmem>>, %arg8: memref<80x128xf32, #tpu.memory_space<vmem>>, %arg9: memref<80x128xf32, #tpu.memory_space<vmem>>, %arg10: memref<80x128xf32, #tpu.memory_space<vmem>>, %arg11: memref<80x128xf32, #tpu.memory_space<vmem>>, %arg12: memref<80x128xf32, #tpu.memory_space<vmem>>, %arg13: memref<80x128xf32, #tpu.memory_space<vmem>>, %arg14: memref<!tpu.dma_semaphore, #tpu.memory_space<semaphore_mem>>, %arg15: memref<!tpu.dma_semaphore, #tpu.memory_space<semaphore_mem>>, %arg16: memref<!tpu.dma_semaphore, #tpu.memory_space<semaphore_mem>>, %arg17: memref<!tpu.dma_semaphore, #tpu.memory_space<semaphore_mem>>, %arg18: memref<!tpu.dma_semaphore, #tpu.memory_space<semaphore_mem>>, %arg19: memref<!tpu.dma_semaphore, #tpu.memory_space<semaphore_mem>>, %arg20: memref<!tpu.dma_semaphore, #tpu.memory_space<semaphore_mem>>, %arg21: memref<!tpu.dma_semaphore, #tpu.memory_space<semaphore_mem>>, %arg22: memref<!tpu.dma_semaphore, #tpu.memory_space<semaphore_mem>>, %arg23: memref<!tpu.dma_semaphore, #tpu.memory_space<semaphore_mem>>, %arg24: memref<!tpu.dma_semaphore, #tpu.memory_space<semaphore_mem>>, %arg25: memref<!tpu.dma_semaphore, #tpu.memory_space<semaphore_mem>>, %arg26: memref<!tpu.dma_semaphore, #tpu.memory_space<semaphore_mem>>, %arg27: memref<!tpu.dma_semaphore, #tpu.memory_space<semaphore_mem>>, %arg28: memref<!tpu.dma_semaphore, #tpu.memory_space<semaphore_mem>>, %arg29: memref<!tpu.dma_semaphore, #tpu.memory_space<semaphore_mem>>) attributes {dimension_semantics = [#tpu.dimension_semantics<core_parallel>, #tpu.dimension_semantics<subcore_parallel>], iteration_bounds = array<i64: 2, 16>, scalar_prefetch = 0 : i64, scratch_operands = 25 : i64, tpu.core_type = #tpu.core_type<sc_vector_subcore>, window_params = [{transform_indices = #map}, {transform_indices = #map1}, {transform_indices = #map}]} {
    %mul3A = arith.constant 2 : i32
    %mul3A_0 = arith.muli %arg1, %mul3A : i32
    %add3A = arith.addi %mul3A_0, %arg0 : i32
    %mul3A_1 = arith.constant 6400 : i32
    %mul3A_2 = arith.muli %add3A, %mul3A_1 : i32
    "tpu.region"() ({
      %run_scoped3A = tpu.sem_alloc : memref<!tpu.dma_semaphore, #tpu.memory_space<semaphore_mem>>
      %dma_start3A_77 = tpu.memref_slice %arg3[%mul3A_2] : memref<204800xi32, #tpu.memory_space<hbm>> -> memref<6400xi32, #tpu.memory_space<hbm>>
      %dma_start3A_78 = tpu.memref_slice %arg3[%mul3A_2] : memref<204800xi32, #tpu.memory_space<hbm>> -> memref<6400xi32, #tpu.memory_space<hbm>>
      tpu.enqueue_dma source(%dma_start3A_78 : memref<6400xi32, #tpu.memory_space<hbm>>) target(%arg5 : memref<6400xi32, #tpu.memory_space<vmem>>) target_semaphore(%run_scoped3A : memref<!tpu.dma_semaphore, #tpu.memory_space<semaphore_mem>>)
      %dma_wait3A_79 = tpu.memref_slice %arg3[%mul3A_2] : memref<204800xi32, #tpu.memory_space<hbm>> -> memref<6400xi32, #tpu.memory_space<hbm>>
      %dma_wait3A_80 = tpu.memref_slice %arg3[%mul3A_2] : memref<204800xi32, #tpu.memory_space<hbm>> -> memref<6400xi32, #tpu.memory_space<hbm>>
      tpu.wait_dma2 semaphore(%run_scoped3A : memref<!tpu.dma_semaphore, #tpu.memory_space<semaphore_mem>>) src(%dma_wait3A_80 : memref<6400xi32, #tpu.memory_space<hbm>>) dst(%arg5 : memref<6400xi32, #tpu.memory_space<vmem>>)
      tpu.yield
    }) : () -> ()
    %dma_start3A = arith.constant 0 : i32
    %dma_start3A_3 = tpu.memref_slice %arg5[%dma_start3A] : memref<6400xi32, #tpu.memory_space<vmem>> -> memref<80xi32, #tpu.memory_space<vmem>>
    %dma_start3A_4 = arith.constant 0 : i32
    %dma_start3A_5 = arith.constant 0 : i32
    %dma_start3A_6 = tpu.memref_slice %arg2[%dma_start3A_4, %dma_start3A_5] : memref<100000x128xf32, #tpu.memory_space<hbm>> -> memref<100000x128xf32, #tpu.memory_space<hbm>>
    tpu.enqueue_indirect_dma source(%dma_start3A_6 : memref<100000x128xf32, #tpu.memory_space<hbm>>) target(%arg6 : memref<80x128xf32, #tpu.memory_space<vmem>>) offsets(%dma_start3A_3 : memref<80xi32, #tpu.memory_space<vmem>>) semaphore(%arg14 : memref<!tpu.dma_semaphore, #tpu.memory_space<semaphore_mem>>)
    %dma_start3A_7 = arith.constant 80 : i32
    %dma_start3A_8 = tpu.memref_slice %arg5[%dma_start3A_7] : memref<6400xi32, #tpu.memory_space<vmem>> -> memref<80xi32, #tpu.memory_space<vmem>>
    %dma_start3A_9 = arith.constant 0 : i32
    %dma_start3A_10 = arith.constant 0 : i32
    %dma_start3A_11 = tpu.memref_slice %arg2[%dma_start3A_9, %dma_start3A_10] : memref<100000x128xf32, #tpu.memory_space<hbm>> -> memref<100000x128xf32, #tpu.memory_space<hbm>>
    tpu.enqueue_indirect_dma source(%dma_start3A_11 : memref<100000x128xf32, #tpu.memory_space<hbm>>) target(%arg7 : memref<80x128xf32, #tpu.memory_space<vmem>>) offsets(%dma_start3A_8 : memref<80xi32, #tpu.memory_space<vmem>>) semaphore(%arg15 : memref<!tpu.dma_semaphore, #tpu.memory_space<semaphore_mem>>)
    %dma_start3A_12 = arith.constant 160 : i32
    %dma_start3A_13 = tpu.memref_slice %arg5[%dma_start3A_12] : memref<6400xi32, #tpu.memory_space<vmem>> -> memref<80xi32, #tpu.memory_space<vmem>>
    %dma_start3A_14 = arith.constant 0 : i32
    %dma_start3A_15 = arith.constant 0 : i32
    %dma_start3A_16 = tpu.memref_slice %arg2[%dma_start3A_14, %dma_start3A_15] : memref<100000x128xf32, #tpu.memory_space<hbm>> -> memref<100000x128xf32, #tpu.memory_space<hbm>>
    tpu.enqueue_indirect_dma source(%dma_start3A_16 : memref<100000x128xf32, #tpu.memory_space<hbm>>) target(%arg8 : memref<80x128xf32, #tpu.memory_space<vmem>>) offsets(%dma_start3A_13 : memref<80xi32, #tpu.memory_space<vmem>>) semaphore(%arg16 : memref<!tpu.dma_semaphore, #tpu.memory_space<semaphore_mem>>)
    %dma_start3A_17 = arith.constant 240 : i32
    %dma_start3A_18 = tpu.memref_slice %arg5[%dma_start3A_17] : memref<6400xi32, #tpu.memory_space<vmem>> -> memref<80xi32, #tpu.memory_space<vmem>>
    %dma_start3A_19 = arith.constant 0 : i32
    %dma_start3A_20 = arith.constant 0 : i32
    %dma_start3A_21 = tpu.memref_slice %arg2[%dma_start3A_19, %dma_start3A_20] : memref<100000x128xf32, #tpu.memory_space<hbm>> -> memref<100000x128xf32, #tpu.memory_space<hbm>>
    tpu.enqueue_indirect_dma source(%dma_start3A_21 : memref<100000x128xf32, #tpu.memory_space<hbm>>) target(%arg9 : memref<80x128xf32, #tpu.memory_space<vmem>>) offsets(%dma_start3A_18 : memref<80xi32, #tpu.memory_space<vmem>>) semaphore(%arg17 : memref<!tpu.dma_semaphore, #tpu.memory_space<semaphore_mem>>)
    %dma_start3A_22 = arith.constant 320 : i32
    %dma_start3A_23 = tpu.memref_slice %arg5[%dma_start3A_22] : memref<6400xi32, #tpu.memory_space<vmem>> -> memref<80xi32, #tpu.memory_space<vmem>>
    %dma_start3A_24 = arith.constant 0 : i32
    %dma_start3A_25 = arith.constant 0 : i32
    %dma_start3A_26 = tpu.memref_slice %arg2[%dma_start3A_24, %dma_start3A_25] : memref<100000x128xf32, #tpu.memory_space<hbm>> -> memref<100000x128xf32, #tpu.memory_space<hbm>>
    tpu.enqueue_indirect_dma source(%dma_start3A_26 : memref<100000x128xf32, #tpu.memory_space<hbm>>) target(%arg10 : memref<80x128xf32, #tpu.memory_space<vmem>>) offsets(%dma_start3A_23 : memref<80xi32, #tpu.memory_space<vmem>>) semaphore(%arg18 : memref<!tpu.dma_semaphore, #tpu.memory_space<semaphore_mem>>)
    %dma_start3A_27 = arith.constant 400 : i32
    %dma_start3A_28 = tpu.memref_slice %arg5[%dma_start3A_27] : memref<6400xi32, #tpu.memory_space<vmem>> -> memref<80xi32, #tpu.memory_space<vmem>>
    %dma_start3A_29 = arith.constant 0 : i32
    %dma_start3A_30 = arith.constant 0 : i32
    %dma_start3A_31 = tpu.memref_slice %arg2[%dma_start3A_29, %dma_start3A_30] : memref<100000x128xf32, #tpu.memory_space<hbm>> -> memref<100000x128xf32, #tpu.memory_space<hbm>>
    tpu.enqueue_indirect_dma source(%dma_start3A_31 : memref<100000x128xf32, #tpu.memory_space<hbm>>) target(%arg11 : memref<80x128xf32, #tpu.memory_space<vmem>>) offsets(%dma_start3A_28 : memref<80xi32, #tpu.memory_space<vmem>>) semaphore(%arg19 : memref<!tpu.dma_semaphore, #tpu.memory_space<semaphore_mem>>)
    %dma_start3A_32 = arith.constant 480 : i32
    %dma_start3A_33 = tpu.memref_slice %arg5[%dma_start3A_32] : memref<6400xi32, #tpu.memory_space<vmem>> -> memref<80xi32, #tpu.memory_space<vmem>>
    %dma_start3A_34 = arith.constant 0 : i32
    %dma_start3A_35 = arith.constant 0 : i32
    %dma_start3A_36 = tpu.memref_slice %arg2[%dma_start3A_34, %dma_start3A_35] : memref<100000x128xf32, #tpu.memory_space<hbm>> -> memref<100000x128xf32, #tpu.memory_space<hbm>>
    tpu.enqueue_indirect_dma source(%dma_start3A_36 : memref<100000x128xf32, #tpu.memory_space<hbm>>) target(%arg12 : memref<80x128xf32, #tpu.memory_space<vmem>>) offsets(%dma_start3A_33 : memref<80xi32, #tpu.memory_space<vmem>>) semaphore(%arg20 : memref<!tpu.dma_semaphore, #tpu.memory_space<semaphore_mem>>)
    %dma_start3A_37 = arith.constant 560 : i32
    %dma_start3A_38 = tpu.memref_slice %arg5[%dma_start3A_37] : memref<6400xi32, #tpu.memory_space<vmem>> -> memref<80xi32, #tpu.memory_space<vmem>>
    %dma_start3A_39 = arith.constant 0 : i32
    %dma_start3A_40 = arith.constant 0 : i32
    %dma_start3A_41 = tpu.memref_slice %arg2[%dma_start3A_39, %dma_start3A_40] : memref<100000x128xf32, #tpu.memory_space<hbm>> -> memref<100000x128xf32, #tpu.memory_space<hbm>>
    tpu.enqueue_indirect_dma source(%dma_start3A_41 : memref<100000x128xf32, #tpu.memory_space<hbm>>) target(%arg13 : memref<80x128xf32, #tpu.memory_space<vmem>>) offsets(%dma_start3A_38 : memref<80xi32, #tpu.memory_space<vmem>>) semaphore(%arg21 : memref<!tpu.dma_semaphore, #tpu.memory_space<semaphore_mem>>)
    %scan3A = arith.constant 0 : i32
    %scan3A_42 = arith.constant 10 : i32
    %scan3A_43 = arith.addi %scan3A, %scan3A_42 : i32
    %scan3A_44 = arith.constant 1 : i32
    scf.for %scan3A_77 = %scan3A to %scan3A_43 step %scan3A_44  : i32 {
      %mul3A_78 = arith.constant 8 : i32
      %mul3A_79 = arith.muli %scan3A_77, %mul3A_78 : i32
      %add3A_80 = arith.constant 0 : i32
      %add3A_81 = arith.addi %add3A_80, %mul3A_79 : i32
      %dma_wait3A_82 = arith.constant 0 : i32
      %dma_wait3A_83 = tpu.memref_slice %arg5[%dma_wait3A_82] : memref<6400xi32, #tpu.memory_space<vmem>> -> memref<80xi32, #tpu.memory_space<vmem>>
      %dma_wait3A_84 = arith.constant 0 : i32
      %dma_wait3A_85 = arith.constant 0 : i32
      %dma_wait3A_86 = tpu.memref_slice %arg2[%dma_wait3A_84, %dma_wait3A_85] : memref<100000x128xf32, #tpu.memory_space<hbm>> -> memref<100000x128xf32, #tpu.memory_space<hbm>>
      tpu.wait_indirect_dma semaphore(%arg14 : memref<!tpu.dma_semaphore, #tpu.memory_space<semaphore_mem>>) src(%dma_wait3A_86 : memref<100000x128xf32, #tpu.memory_space<hbm>>) dst(%arg6 : memref<80x128xf32, #tpu.memory_space<vmem>>)
      %scan3A_87 = arith.constant 0 : i32
      %scan3A_88 = arith.constant 80 : i32
      %scan3A_89 = arith.addi %scan3A_87, %scan3A_88 : i32
      %scan3A_90 = arith.constant 1 : i32
      scf.for %scan3A_303 = %scan3A_87 to %scan3A_89 step %scan3A_90  : i32 {
        %mul3A_304 = arith.constant 1 : i32
        %mul3A_305 = arith.muli %scan3A_303, %mul3A_304 : i32
        %add3A_306 = arith.constant 0 : i32
        %add3A_307 = arith.addi %add3A_306, %mul3A_305 : i32
        %get3A = arith.index_cast %add3A_307 : i32 to index
        %get3A_308 = arith.constant 0 : index
        %get3A_309 = tpu.vector_load %arg6[%get3A, %get3A_308] {strides = array<i32>} : memref<80x128xf32, #tpu.memory_space<vmem>>, vector<1x16xf32>,
        %get3A_310 = vector.shape_cast %get3A_309 : vector<1x16xf32> to vector<16xf32>
        %mul3A_311 = arith.constant 11.3137083 : f32
        %mul3A_312 = vector.broadcast %mul3A_311 : f32 to vector<16xf32>
        %mul3A_313 = arith.mulf %get3A_310, %mul3A_312 : vector<16xf32>
        %swap3A = arith.index_cast %add3A_307 : i32 to index
        %swap3A_314 = arith.constant 0 : index
        %swap3A_315 = tpu.vector_load %arg6[%swap3A, %swap3A_314] {strides = array<i32>} : memref<80x128xf32, #tpu.memory_space<vmem>>, vector<1x16xf32>,
        %swap3A_316 = vector.shape_cast %swap3A_315 : vector<1x16xf32> to vector<16xf32>
        %swap3A_317 = vector.shape_cast %mul3A_313 : vector<16xf32> to vector<1x16xf32>
        tpu.vector_store %arg6[%swap3A, %swap3A_314], %swap3A_317 {strides = array<i32>} : memref<80x128xf32, #tpu.memory_space<vmem>>, vector<1x16xf32>,
        %get3A_318 = arith.index_cast %add3A_307 : i32 to index
        %get3A_319 = arith.constant 16 : index
        %get3A_320 = tpu.vector_load %arg6[%get3A_318, %get3A_319] {strides = array<i32>} : memref<80x128xf32, #tpu.memory_space<vmem>>, vector<1x16xf32>,
        %get3A_321 = vector.shape_cast %get3A_320 : vector<1x16xf32> to vector<16xf32>
        %mul3A_322 = arith.constant 11.3137083 : f32
        %mul3A_323 = vector.broadcast %mul3A_322 : f32 to vector<16xf32>
        %mul3A_324 = arith.mulf %get3A_321, %mul3A_323 : vector<16xf32>
        %swap3A_325 = arith.index_cast %add3A_307 : i32 to index
        %swap3A_326 = arith.constant 16 : index
        %swap3A_327 = tpu.vector_load %arg6[%swap3A_325, %swap3A_326] {strides = array<i32>} : memref<80x128xf32, #tpu.memory_space<vmem>>, vector<1x16xf32>,
        %swap3A_328 = vector.shape_cast %swap3A_327 : vector<1x16xf32> to vector<16xf32>
        %swap3A_329 = vector.shape_cast %mul3A_324 : vector<16xf32> to vector<1x16xf32>
        tpu.vector_store %arg6[%swap3A_325, %swap3A_326], %swap3A_329 {strides = array<i32>} : memref<80x128xf32, #tpu.memory_space<vmem>>, vector<1x16xf32>,
        %get3A_330 = arith.index_cast %add3A_307 : i32 to index
        %get3A_331 = arith.constant 32 : index
        %get3A_332 = tpu.vector_load %arg6[%get3A_330, %get3A_331] {strides = array<i32>} : memref<80x128xf32, #tpu.memory_space<vmem>>, vector<1x16xf32>,
        %get3A_333 = vector.shape_cast %get3A_332 : vector<1x16xf32> to vector<16xf32>
        %mul3A_334 = arith.constant 11.3137083 : f32
        %mul3A_335 = vector.broadcast %mul3A_334 : f32 to vector<16xf32>
        %mul3A_336 = arith.mulf %get3A_333, %mul3A_335 : vector<16xf32>
        %swap3A_337 = arith.index_cast %add3A_307 : i32 to index
        %swap3A_338 = arith.constant 32 : index
        %swap3A_339 = tpu.vector_load %arg6[%swap3A_337, %swap3A_338] {strides = array<i32>} : memref<80x128xf32, #tpu.memory_space<vmem>>, vector<1x16xf32>,
        %swap3A_340 = vector.shape_cast %swap3A_339 : vector<1x16xf32> to vector<16xf32>
        %swap3A_341 = vector.shape_cast %mul3A_336 : vector<16xf32> to vector<1x16xf32>
        tpu.vector_store %arg6[%swap3A_337, %swap3A_338], %swap3A_341 {strides = array<i32>} : memref<80x128xf32, #tpu.memory_space<vmem>>, vector<1x16xf32>,
        %get3A_342 = arith.index_cast %add3A_307 : i32 to index
        %get3A_343 = arith.constant 48 : index
        %get3A_344 = tpu.vector_load %arg6[%get3A_342, %get3A_343] {strides = array<i32>} : memref<80x128xf32, #tpu.memory_space<vmem>>, vector<1x16xf32>,
        %get3A_345 = vector.shape_cast %get3A_344 : vector<1x16xf32> to vector<16xf32>
        %mul3A_346 = arith.constant 11.3137083 : f32
        %mul3A_347 = vector.broadcast %mul3A_346 : f32 to vector<16xf32>
        %mul3A_348 = arith.mulf %get3A_345, %mul3A_347 : vector<16xf32>
        %swap3A_349 = arith.index_cast %add3A_307 : i32 to index
        %swap3A_350 = arith.constant 48 : index
        %swap3A_351 = tpu.vector_load %arg6[%swap3A_349, %swap3A_350] {strides = array<i32>} : memref<80x128xf32, #tpu.memory_space<vmem>>, vector<1x16xf32>,
        %swap3A_352 = vector.shape_cast %swap3A_351 : vector<1x16xf32> to vector<16xf32>
        %swap3A_353 = vector.shape_cast %mul3A_348 : vector<16xf32> to vector<1x16xf32>
        tpu.vector_store %arg6[%swap3A_349, %swap3A_350], %swap3A_353 {strides = array<i32>} : memref<80x128xf32, #tpu.memory_space<vmem>>, vector<1x16xf32>,
        %get3A_354 = arith.index_cast %add3A_307 : i32 to index
        %get3A_355 = arith.constant 64 : index
        %get3A_356 = tpu.vector_load %arg6[%get3A_354, %get3A_355] {strides = array<i32>} : memref<80x128xf32, #tpu.memory_space<vmem>>, vector<1x16xf32>,
        %get3A_357 = vector.shape_cast %get3A_356 : vector<1x16xf32> to vector<16xf32>
        %mul3A_358 = arith.constant 11.3137083 : f32
        %mul3A_359 = vector.broadcast %mul3A_358 : f32 to vector<16xf32>
        %mul3A_360 = arith.mulf %get3A_357, %mul3A_359 : vector<16xf32>
        %swap3A_361 = arith.index_cast %add3A_307 : i32 to index
        %swap3A_362 = arith.constant 64 : index
        %swap3A_363 = tpu.vector_load %arg6[%swap3A_361, %swap3A_362] {strides = array<i32>} : memref<80x128xf32, #tpu.memory_space<vmem>>, vector<1x16xf32>,
        %swap3A_364 = vector.shape_cast %swap3A_363 : vector<1x16xf32> to vector<16xf32>
        %swap3A_365 = vector.shape_cast %mul3A_360 : vector<16xf32> to vector<1x16xf32>
        tpu.vector_store %arg6[%swap3A_361, %swap3A_362], %swap3A_365 {strides = array<i32>} : memref<80x128xf32, #tpu.memory_space<vmem>>, vector<1x16xf32>,
        %get3A_366 = arith.index_cast %add3A_307 : i32 to index
        %get3A_367 = arith.constant 80 : index
        %get3A_368 = tpu.vector_load %arg6[%get3A_366, %get3A_367] {strides = array<i32>} : memref<80x128xf32, #tpu.memory_space<vmem>>, vector<1x16xf32>,
        %get3A_369 = vector.shape_cast %get3A_368 : vector<1x16xf32> to vector<16xf32>
        %mul3A_370 = arith.constant 11.3137083 : f32
        %mul3A_371 = vector.broadcast %mul3A_370 : f32 to vector<16xf32>
        %mul3A_372 = arith.mulf %get3A_369, %mul3A_371 : vector<16xf32>
        %swap3A_373 = arith.index_cast %add3A_307 : i32 to index
        %swap3A_374 = arith.constant 80 : index
        %swap3A_375 = tpu.vector_load %arg6[%swap3A_373, %swap3A_374] {strides = array<i32>} : memref<80x128xf32, #tpu.memory_space<vmem>>, vector<1x16xf32>,
        %swap3A_376 = vector.shape_cast %swap3A_375 : vector<1x16xf32> to vector<16xf32>
        %swap3A_377 = vector.shape_cast %mul3A_372 : vector<16xf32> to vector<1x16xf32>
        tpu.vector_store %arg6[%swap3A_373, %swap3A_374], %swap3A_377 {strides = array<i32>} : memref<80x128xf32, #tpu.memory_space<vmem>>, vector<1x16xf32>,
        %get3A_378 = arith.index_cast %add3A_307 : i32 to index
        %get3A_379 = arith.constant 96 : index
        %get3A_380 = tpu.vector_load %arg6[%get3A_378, %get3A_379] {strides = array<i32>} : memref<80x128xf32, #tpu.memory_space<vmem>>, vector<1x16xf32>,
        %get3A_381 = vector.shape_cast %get3A_380 : vector<1x16xf32> to vector<16xf32>
        %mul3A_382 = arith.constant 11.3137083 : f32
        %mul3A_383 = vector.broadcast %mul3A_382 : f32 to vector<16xf32>
        %mul3A_384 = arith.mulf %get3A_381, %mul3A_383 : vector<16xf32>
        %swap3A_385 = arith.index_cast %add3A_307 : i32 to index
        %swap3A_386 = arith.constant 96 : index
        %swap3A_387 = tpu.vector_load %arg6[%swap3A_385, %swap3A_386] {strides = array<i32>} : memref<80x128xf32, #tpu.memory_space<vmem>>, vector<1x16xf32>,
        %swap3A_388 = vector.shape_cast %swap3A_387 : vector<1x16xf32> to vector<16xf32>
        %swap3A_389 = vector.shape_cast %mul3A_384 : vector<16xf32> to vector<1x16xf32>
        tpu.vector_store %arg6[%swap3A_385, %swap3A_386], %swap3A_389 {strides = array<i32>} : memref<80x128xf32, #tpu.memory_space<vmem>>, vector<1x16xf32>,
        %get3A_390 = arith.index_cast %add3A_307 : i32 to index
        %get3A_391 = arith.constant 112 : index
        %get3A_392 = tpu.vector_load %arg6[%get3A_390, %get3A_391] {strides = array<i32>} : memref<80x128xf32, #tpu.memory_space<vmem>>, vector<1x16xf32>,
        %get3A_393 = vector.shape_cast %get3A_392 : vector<1x16xf32> to vector<16xf32>
        %mul3A_394 = arith.constant 11.3137083 : f32
        %mul3A_395 = vector.broadcast %mul3A_394 : f32 to vector<16xf32>
        %mul3A_396 = arith.mulf %get3A_393, %mul3A_395 : vector<16xf32>
        %swap3A_397 = arith.index_cast %add3A_307 : i32 to index
        %swap3A_398 = arith.constant 112 : index
        %swap3A_399 = tpu.vector_load %arg6[%swap3A_397, %swap3A_398] {strides = array<i32>} : memref<80x128xf32, #tpu.memory_space<vmem>>, vector<1x16xf32>,
        %swap3A_400 = vector.shape_cast %swap3A_399 : vector<1x16xf32> to vector<16xf32>
        %swap3A_401 = vector.shape_cast %mul3A_396 : vector<16xf32> to vector<1x16xf32>
        tpu.vector_store %arg6[%swap3A_397, %swap3A_398], %swap3A_401 {strides = array<i32>} : memref<80x128xf32, #tpu.memory_space<vmem>>, vector<1x16xf32>,
      }
      %scan3A_91 = arith.constant 80 : i32
      %add3A_92 = arith.constant 0 : i32
      %add3A_93 = arith.addi %add3A_81, %add3A_92 : i32
      %mul3A_94 = arith.constant 80 : i32
      %mul3A_95 = arith.muli %add3A_93, %mul3A_94 : i32
      %add3A_96 = arith.addi %mul3A_2, %mul3A_95 : i32
      %dma_start3A_97 = arith.constant 0 : i32
      %dma_start3A_98 = tpu.memref_slice %arg4[%add3A_96, %dma_start3A_97] : memref<204800x128xf32, #tpu.memory_space<hbm>> -> memref<80x128xf32, #tpu.memory_space<hbm>>
      %dma_start3A_99 = arith.constant 0 : i32
      %dma_start3A_100 = tpu.memref_slice %arg4[%add3A_96, %dma_start3A_99] : memref<204800x128xf32, #tpu.memory_space<hbm>> -> memref<80x128xf32, #tpu.memory_space<hbm>>
      tpu.enqueue_dma source(%arg6 : memref<80x128xf32, #tpu.memory_space<vmem>>) target(%dma_start3A_100 : memref<80x128xf32, #tpu.memory_space<hbm>>) target_semaphore(%arg22 : memref<!tpu.dma_semaphore, #tpu.memory_space<semaphore_mem>>)
      %add3A_101 = arith.constant 0 : i32
      %add3A_102 = arith.addi %add3A_81, %add3A_101 : i32
      %add3A_103 = arith.constant 8 : i32
      %add3A_104 = arith.addi %add3A_102, %add3A_103 : i32
      %lt3A = arith.constant 80 : i32
      %lt3A_105 = arith.cmpi slt, %add3A_104, %lt3A : i32
      %convert_element_type3A = arith.extui %lt3A_105 : i1 to i32
      %cond3A = arith.constant 0 : i32
      %cond3A_106 = arith.cmpi ne, %convert_element_type3A, %cond3A : i32
      scf.if %cond3A_106 {
        %dma_wait3A_303 = arith.constant 0 : i32
        %dma_wait3A_304 = tpu.memref_slice %arg4[%mul3A_2, %dma_wait3A_303] : memref<204800x128xf32, #tpu.memory_space<hbm>> -> memref<80x128xf32, #tpu.memory_space<hbm>>
        %dma_wait3A_305 = arith.constant 0 : i32
        %dma_wait3A_306 = tpu.memref_slice %arg4[%mul3A_2, %dma_wait3A_305] : memref<204800x128xf32, #tpu.memory_space<hbm>> -> memref<80x128xf32, #tpu.memory_space<hbm>>
        tpu.wait_dma2 semaphore(%arg22 : memref<!tpu.dma_semaphore, #tpu.memory_space<semaphore_mem>>) src(%arg6 : memref<80x128xf32, #tpu.memory_space<vmem>>) dst(%dma_wait3A_306 : memref<80x128xf32, #tpu.memory_space<hbm>>)
        %add3A_307 = arith.constant 0 : i32
        %add3A_308 = arith.addi %add3A_81, %add3A_307 : i32
        %add3A_309 = arith.constant 8 : i32
        %add3A_310 = arith.addi %add3A_308, %add3A_309 : i32
        %mul3A_311 = arith.constant 80 : i32
        %mul3A_312 = arith.muli %add3A_310, %mul3A_311 : i32
        %dma_start3A_313 = tpu.memref_slice %arg5[%mul3A_312] : memref<6400xi32, #tpu.memory_space<vmem>> -> memref<80xi32, #tpu.memory_space<vmem>>
        %dma_start3A_314 = arith.constant 0 : i32
        %dma_start3A_315 = arith.constant 0 : i32
        %dma_start3A_316 = tpu.memref_slice %arg2[%dma_start3A_314, %dma_start3A_315] : memref<100000x128xf32, #tpu.memory_space<hbm>> -> memref<100000x128xf32, #tpu.memory_space<hbm>>
        tpu.enqueue_indirect_dma source(%dma_start3A_316 : memref<100000x128xf32, #tpu.memory_space<hbm>>) target(%arg6 : memref<80x128xf32, #tpu.memory_space<vmem>>) offsets(%dma_start3A_313 : memref<80xi32, #tpu.memory_space<vmem>>) semaphore(%arg14 : memref<!tpu.dma_semaphore, #tpu.memory_space<semaphore_mem>>)
      } else {
      }
      %dma_wait3A_107 = arith.constant 0 : i32
      %dma_wait3A_108 = tpu.memref_slice %arg5[%dma_wait3A_107] : memref<6400xi32, #tpu.memory_space<vmem>> -> memref<80xi32, #tpu.memory_space<vmem>>
      %dma_wait3A_109 = arith.constant 0 : i32
      %dma_wait3A_110 = arith.constant 0 : i32
      %dma_wait3A_111 = tpu.memref_slice %arg2[%dma_wait3A_109, %dma_wait3A_110] : memref<100000x128xf32, #tpu.memory_space<hbm>> -> memref<100000x128xf32, #tpu.memory_space<hbm>>
      tpu.wait_indirect_dma semaphore(%arg15 : memref<!tpu.dma_semaphore, #tpu.memory_space<semaphore_mem>>) src(%dma_wait3A_111 : memref<100000x128xf32, #tpu.memory_space<hbm>>) dst(%arg7 : memref<80x128xf32, #tpu.memory_space<vmem>>)
      %scan3A_112 = arith.constant 0 : i32
      %scan3A_113 = arith.constant 80 : i32
      %scan3A_114 = arith.addi %scan3A_112, %scan3A_113 : i32
      %scan3A_115 = arith.constant 1 : i32
      scf.for %scan3A_303 = %scan3A_112 to %scan3A_114 step %scan3A_115  : i32 {
        %mul3A_304 = arith.constant 1 : i32
        %mul3A_305 = arith.muli %scan3A_303, %mul3A_304 : i32
        %add3A_306 = arith.constant 0 : i32
        %add3A_307 = arith.addi %add3A_306, %mul3A_305 : i32
        %get3A = arith.index_cast %add3A_307 : i32 to index
        %get3A_308 = arith.constant 0 : index
        %get3A_309 = tpu.vector_load %arg7[%get3A, %get3A_308] {strides = array<i32>} : memref<80x128xf32, #tpu.memory_space<vmem>>, vector<1x16xf32>,
        %get3A_310 = vector.shape_cast %get3A_309 : vector<1x16xf32> to vector<16xf32>
        %mul3A_311 = arith.constant 11.3137083 : f32
        %mul3A_312 = vector.broadcast %mul3A_311 : f32 to vector<16xf32>
        %mul3A_313 = arith.mulf %get3A_310, %mul3A_312 : vector<16xf32>
        %swap3A = arith.index_cast %add3A_307 : i32 to index
        %swap3A_314 = arith.constant 0 : index
        %swap3A_315 = tpu.vector_load %arg7[%swap3A, %swap3A_314] {strides = array<i32>} : memref<80x128xf32, #tpu.memory_space<vmem>>, vector<1x16xf32>,
        %swap3A_316 = vector.shape_cast %swap3A_315 : vector<1x16xf32> to vector<16xf32>
        %swap3A_317 = vector.shape_cast %mul3A_313 : vector<16xf32> to vector<1x16xf32>
        tpu.vector_store %arg7[%swap3A, %swap3A_314], %swap3A_317 {strides = array<i32>} : memref<80x128xf32, #tpu.memory_space<vmem>>, vector<1x16xf32>,
        %get3A_318 = arith.index_cast %add3A_307 : i32 to index
        %get3A_319 = arith.constant 16 : index
        %get3A_320 = tpu.vector_load %arg7[%get3A_318, %get3A_319] {strides = array<i32>} : memref<80x128xf32, #tpu.memory_space<vmem>>, vector<1x16xf32>,
        %get3A_321 = vector.shape_cast %get3A_320 : vector<1x16xf32> to vector<16xf32>
        %mul3A_322 = arith.constant 11.3137083 : f32
        %mul3A_323 = vector.broadcast %mul3A_322 : f32 to vector<16xf32>
        %mul3A_324 = arith.mulf %get3A_321, %mul3A_323 : vector<16xf32>
        %swap3A_325 = arith.index_cast %add3A_307 : i32 to index
        %swap3A_326 = arith.constant 16 : index
        %swap3A_327 = tpu.vector_load %arg7[%swap3A_325, %swap3A_326] {strides = array<i32>} : memref<80x128xf32, #tpu.memory_space<vmem>>, vector<1x16xf32>,
        %swap3A_328 = vector.shape_cast %swap3A_327 : vector<1x16xf32> to vector<16xf32>
        %swap3A_329 = vector.shape_cast %mul3A_324 : vector<16xf32> to vector<1x16xf32>
        tpu.vector_store %arg7[%swap3A_325, %swap3A_326], %swap3A_329 {strides = array<i32>} : memref<80x128xf32, #tpu.memory_space<vmem>>, vector<1x16xf32>,
        %get3A_330 = arith.index_cast %add3A_307 : i32 to index
        %get3A_331 = arith.constant 32 : index
        %get3A_332 = tpu.vector_load %arg7[%get3A_330, %get3A_331] {strides = array<i32>} : memref<80x128xf32, #tpu.memory_space<vmem>>, vector<1x16xf32>,
        %get3A_333 = vector.shape_cast %get3A_332 : vector<1x16xf32> to vector<16xf32>
        %mul3A_334 = arith.constant 11.3137083 : f32
        %mul3A_335 = vector.broadcast %mul3A_334 : f32 to vector<16xf32>
        %mul3A_336 = arith.mulf %get3A_333, %mul3A_335 : vector<16xf32>
        %swap3A_337 = arith.index_cast %add3A_307 : i32 to index
        %swap3A_338 = arith.constant 32 : index
        %swap3A_339 = tpu.vector_load %arg7[%swap3A_337, %swap3A_338] {strides = array<i32>} : memref<80x128xf32, #tpu.memory_space<vmem>>, vector<1x16xf32>,
        %swap3A_340 = vector.shape_cast %swap3A_339 : vector<1x16xf32> to vector<16xf32>
        %swap3A_341 = vector.shape_cast %mul3A_336 : vector<16xf32> to vector<1x16xf32>
        tpu.vector_store %arg7[%swap3A_337, %swap3A_338], %swap3A_341 {strides = array<i32>} : memref<80x128xf32, #tpu.memory_space<vmem>>, vector<1x16xf32>,
        %get3A_342 = arith.index_cast %add3A_307 : i32 to index
        %get3A_343 = arith.constant 48 : index
        %get3A_344 = tpu.vector_load %arg7[%get3A_342, %get3A_343] {strides = array<i32>} : memref<80x128xf32, #tpu.memory_space<vmem>>, vector<1x16xf32>,
        %get3A_345 = vector.shape_cast %get3A_344 : vector<1x16xf32> to vector<16xf32>
        %mul3A_346 = arith.constant 11.3137083 : f32
        %mul3A_347 = vector.broadcast %mul3A_346 : f32 to vector<16xf32>
        %mul3A_348 = arith.mulf %get3A_345, %mul3A_347 : vector<16xf32>
        %swap3A_349 = arith.index_cast %add3A_307 : i32 to index
        %swap3A_350 = arith.constant 48 : index
        %swap3A_351 = tpu.vector_load %arg7[%swap3A_349, %swap3A_350] {strides = array<i32>} : memref<80x128xf32, #tpu.memory_space<vmem>>, vector<1x16xf32>,
        %swap3A_352 = vector.shape_cast %swap3A_351 : vector<1x16xf32> to vector<16xf32>
        %swap3A_353 = vector.shape_cast %mul3A_348 : vector<16xf32> to vector<1x16xf32>
        tpu.vector_store %arg7[%swap3A_349, %swap3A_350], %swap3A_353 {strides = array<i32>} : memref<80x128xf32, #tpu.memory_space<vmem>>, vector<1x16xf32>,
        %get3A_354 = arith.index_cast %add3A_307 : i32 to index
        %get3A_355 = arith.constant 64 : index
        %get3A_356 = tpu.vector_load %arg7[%get3A_354, %get3A_355] {strides = array<i32>} : memref<80x128xf32, #tpu.memory_space<vmem>>, vector<1x16xf32>,
        %get3A_357 = vector.shape_cast %get3A_356 : vector<1x16xf32> to vector<16xf32>
        %mul3A_358 = arith.constant 11.3137083 : f32
        %mul3A_359 = vector.broadcast %mul3A_358 : f32 to vector<16xf32>
        %mul3A_360 = arith.mulf %get3A_357, %mul3A_359 : vector<16xf32>
        %swap3A_361 = arith.index_cast %add3A_307 : i32 to index
        %swap3A_362 = arith.constant 64 : index
        %swap3A_363 = tpu.vector_load %arg7[%swap3A_361, %swap3A_362] {strides = array<i32>} : memref<80x128xf32, #tpu.memory_space<vmem>>, vector<1x16xf32>,
        %swap3A_364 = vector.shape_cast %swap3A_363 : vector<1x16xf32> to vector<16xf32>
        %swap3A_365 = vector.shape_cast %mul3A_360 : vector<16xf32> to vector<1x16xf32>
        tpu.vector_store %arg7[%swap3A_361, %swap3A_362], %swap3A_365 {strides = array<i32>} : memref<80x128xf32, #tpu.memory_space<vmem>>, vector<1x16xf32>,
        %get3A_366 = arith.index_cast %add3A_307 : i32 to index
        %get3A_367 = arith.constant 80 : index
        %get3A_368 = tpu.vector_load %arg7[%get3A_366, %get3A_367] {strides = array<i32>} : memref<80x128xf32, #tpu.memory_space<vmem>>, vector<1x16xf32>,
        %get3A_369 = vector.shape_cast %get3A_368 : vector<1x16xf32> to vector<16xf32>
        %mul3A_370 = arith.constant 11.3137083 : f32
        %mul3A_371 = vector.broadcast %mul3A_370 : f32 to vector<16xf32>
        %mul3A_372 = arith.mulf %get3A_369, %mul3A_371 : vector<16xf32>
        %swap3A_373 = arith.index_cast %add3A_307 : i32 to index
        %swap3A_374 = arith.constant 80 : index
        %swap3A_375 = tpu.vector_load %arg7[%swap3A_373, %swap3A_374] {strides = array<i32>} : memref<80x128xf32, #tpu.memory_space<vmem>>, vector<1x16xf32>,
        %swap3A_376 = vector.shape_cast %swap3A_375 : vector<1x16xf32> to vector<16xf32>
        %swap3A_377 = vector.shape_cast %mul3A_372 : vector<16xf32> to vector<1x16xf32>
        tpu.vector_store %arg7[%swap3A_373, %swap3A_374], %swap3A_377 {strides = array<i32>} : memref<80x128xf32, #tpu.memory_space<vmem>>, vector<1x16xf32>,
        %get3A_378 = arith.index_cast %add3A_307 : i32 to index
        %get3A_379 = arith.constant 96 : index
        %get3A_380 = tpu.vector_load %arg7[%get3A_378, %get3A_379] {strides = array<i32>} : memref<80x128xf32, #tpu.memory_space<vmem>>, vector<1x16xf32>,
        %get3A_381 = vector.shape_cast %get3A_380 : vector<1x16xf32> to vector<16xf32>
        %mul3A_382 = arith.constant 11.3137083 : f32
        %mul3A_383 = vector.broadcast %mul3A_382 : f32 to vector<16xf32>
        %mul3A_384 = arith.mulf %get3A_381, %mul3A_383 : vector<16xf32>
        %swap3A_385 = arith.index_cast %add3A_307 : i32 to index
        %swap3A_386 = arith.constant 96 : index
        %swap3A_387 = tpu.vector_load %arg7[%swap3A_385, %swap3A_386] {strides = array<i32>} : memref<80x128xf32, #tpu.memory_space<vmem>>, vector<1x16xf32>,
        %swap3A_388 = vector.shape_cast %swap3A_387 : vector<1x16xf32> to vector<16xf32>
        %swap3A_389 = vector.shape_cast %mul3A_384 : vector<16xf32> to vector<1x16xf32>
        tpu.vector_store %arg7[%swap3A_385, %swap3A_386], %swap3A_389 {strides = array<i32>} : memref<80x128xf32, #tpu.memory_space<vmem>>, vector<1x16xf32>,
        %get3A_390 = arith.index_cast %add3A_307 : i32 to index
        %get3A_391 = arith.constant 112 : index
        %get3A_392 = tpu.vector_load %arg7[%get3A_390, %get3A_391] {strides = array<i32>} : memref<80x128xf32, #tpu.memory_space<vmem>>, vector<1x16xf32>,
        %get3A_393 = vector.shape_cast %get3A_392 : vector<1x16xf32> to vector<16xf32>
        %mul3A_394 = arith.constant 11.3137083 : f32
        %mul3A_395 = vector.broadcast %mul3A_394 : f32 to vector<16xf32>
        %mul3A_396 = arith.mulf %get3A_393, %mul3A_395 : vector<16xf32>
        %swap3A_397 = arith.index_cast %add3A_307 : i32 to index
        %swap3A_398 = arith.constant 112 : index
        %swap3A_399 = tpu.vector_load %arg7[%swap3A_397, %swap3A_398] {strides = array<i32>} : memref<80x128xf32, #tpu.memory_space<vmem>>, vector<1x16xf32>,
        %swap3A_400 = vector.shape_cast %swap3A_399 : vector<1x16xf32> to vector<16xf32>
        %swap3A_401 = vector.shape_cast %mul3A_396 : vector<16xf32> to vector<1x16xf32>
        tpu.vector_store %arg7[%swap3A_397, %swap3A_398], %swap3A_401 {strides = array<i32>} : memref<80x128xf32, #tpu.memory_space<vmem>>, vector<1x16xf32>,
      }
      %scan3A_116 = arith.constant 80 : i32
      %add3A_117 = arith.constant 1 : i32
      %add3A_118 = arith.addi %add3A_81, %add3A_117 : i32
      %mul3A_119 = arith.constant 80 : i32
      %mul3A_120 = arith.muli %add3A_118, %mul3A_119 : i32
      %add3A_121 = arith.addi %mul3A_2, %mul3A_120 : i32
      %dma_start3A_122 = arith.constant 0 : i32
      %dma_start3A_123 = tpu.memref_slice %arg4[%add3A_121, %dma_start3A_122] : memref<204800x128xf32, #tpu.memory_space<hbm>> -> memref<80x128xf32, #tpu.memory_space<hbm>>
      %dma_start3A_124 = arith.constant 0 : i32
      %dma_start3A_125 = tpu.memref_slice %arg4[%add3A_121, %dma_start3A_124] : memref<204800x128xf32, #tpu.memory_space<hbm>> -> memref<80x128xf32, #tpu.memory_space<hbm>>
      tpu.enqueue_dma source(%arg7 : memref<80x128xf32, #tpu.memory_space<vmem>>) target(%dma_start3A_125 : memref<80x128xf32, #tpu.memory_space<hbm>>) target_semaphore(%arg23 : memref<!tpu.dma_semaphore, #tpu.memory_space<semaphore_mem>>)
      %add3A_126 = arith.constant 1 : i32
      %add3A_127 = arith.addi %add3A_81, %add3A_126 : i32
      %add3A_128 = arith.constant 8 : i32
      %add3A_129 = arith.addi %add3A_127, %add3A_128 : i32
      %lt3A_130 = arith.constant 80 : i32
      %lt3A_131 = arith.cmpi slt, %add3A_129, %lt3A_130 : i32
      %convert_element_type3A_132 = arith.extui %lt3A_131 : i1 to i32
      %cond3A_133 = arith.constant 0 : i32
      %cond3A_134 = arith.cmpi ne, %convert_element_type3A_132, %cond3A_133 : i32
      scf.if %cond3A_134 {
        %dma_wait3A_303 = arith.constant 0 : i32
        %dma_wait3A_304 = tpu.memref_slice %arg4[%mul3A_2, %dma_wait3A_303] : memref<204800x128xf32, #tpu.memory_space<hbm>> -> memref<80x128xf32, #tpu.memory_space<hbm>>
        %dma_wait3A_305 = arith.constant 0 : i32
        %dma_wait3A_306 = tpu.memref_slice %arg4[%mul3A_2, %dma_wait3A_305] : memref<204800x128xf32, #tpu.memory_space<hbm>> -> memref<80x128xf32, #tpu.memory_space<hbm>>
        tpu.wait_dma2 semaphore(%arg23 : memref<!tpu.dma_semaphore, #tpu.memory_space<semaphore_mem>>) src(%arg7 : memref<80x128xf32, #tpu.memory_space<vmem>>) dst(%dma_wait3A_306 : memref<80x128xf32, #tpu.memory_space<hbm>>)
        %add3A_307 = arith.constant 1 : i32
        %add3A_308 = arith.addi %add3A_81, %add3A_307 : i32
        %add3A_309 = arith.constant 8 : i32
        %add3A_310 = arith.addi %add3A_308, %add3A_309 : i32
        %mul3A_311 = arith.constant 80 : i32
        %mul3A_312 = arith.muli %add3A_310, %mul3A_311 : i32
        %dma_start3A_313 = tpu.memref_slice %arg5[%mul3A_312] : memref<6400xi32, #tpu.memory_space<vmem>> -> memref<80xi32, #tpu.memory_space<vmem>>
        %dma_start3A_314 = arith.constant 0 : i32
        %dma_start3A_315 = arith.constant 0 : i32
        %dma_start3A_316 = tpu.memref_slice %arg2[%dma_start3A_314, %dma_start3A_315] : memref<100000x128xf32, #tpu.memory_space<hbm>> -> memref<100000x128xf32, #tpu.memory_space<hbm>>
        tpu.enqueue_indirect_dma source(%dma_start3A_316 : memref<100000x128xf32, #tpu.memory_space<hbm>>) target(%arg7 : memref<80x128xf32, #tpu.memory_space<vmem>>) offsets(%dma_start3A_313 : memref<80xi32, #tpu.memory_space<vmem>>) semaphore(%arg15 : memref<!tpu.dma_semaphore, #tpu.memory_space<semaphore_mem>>)
      } else {
      }
      %dma_wait3A_135 = arith.constant 0 : i32
      %dma_wait3A_136 = tpu.memref_slice %arg5[%dma_wait3A_135] : memref<6400xi32, #tpu.memory_space<vmem>> -> memref<80xi32, #tpu.memory_space<vmem>>
      %dma_wait3A_137 = arith.constant 0 : i32
      %dma_wait3A_138 = arith.constant 0 : i32
      %dma_wait3A_139 = tpu.memref_slice %arg2[%dma_wait3A_137, %dma_wait3A_138] : memref<100000x128xf32, #tpu.memory_space<hbm>> -> memref<100000x128xf32, #tpu.memory_space<hbm>>
      tpu.wait_indirect_dma semaphore(%arg16 : memref<!tpu.dma_semaphore, #tpu.memory_space<semaphore_mem>>) src(%dma_wait3A_139 : memref<100000x128xf32, #tpu.memory_space<hbm>>) dst(%arg8 : memref<80x128xf32, #tpu.memory_space<vmem>>)
      %scan3A_140 = arith.constant 0 : i32
      %scan3A_141 = arith.constant 80 : i32
      %scan3A_142 = arith.addi %scan3A_140, %scan3A_141 : i32
      %scan3A_143 = arith.constant 1 : i32
      scf.for %scan3A_303 = %scan3A_140 to %scan3A_142 step %scan3A_143  : i32 {
        %mul3A_304 = arith.constant 1 : i32
        %mul3A_305 = arith.muli %scan3A_303, %mul3A_304 : i32
        %add3A_306 = arith.constant 0 : i32
        %add3A_307 = arith.addi %add3A_306, %mul3A_305 : i32
        %get3A = arith.index_cast %add3A_307 : i32 to index
        %get3A_308 = arith.constant 0 : index
        %get3A_309 = tpu.vector_load %arg8[%get3A, %get3A_308] {strides = array<i32>} : memref<80x128xf32, #tpu.memory_space<vmem>>, vector<1x16xf32>,
        %get3A_310 = vector.shape_cast %get3A_309 : vector<1x16xf32> to vector<16xf32>
        %mul3A_311 = arith.constant 11.3137083 : f32
        %mul3A_312 = vector.broadcast %mul3A_311 : f32 to vector<16xf32>
        %mul3A_313 = arith.mulf %get3A_310, %mul3A_312 : vector<16xf32>
        %swap3A = arith.index_cast %add3A_307 : i32 to index
        %swap3A_314 = arith.constant 0 : index
        %swap3A_315 = tpu.vector_load %arg8[%swap3A, %swap3A_314] {strides = array<i32>} : memref<80x128xf32, #tpu.memory_space<vmem>>, vector<1x16xf32>,
        %swap3A_316 = vector.shape_cast %swap3A_315 : vector<1x16xf32> to vector<16xf32>
        %swap3A_317 = vector.shape_cast %mul3A_313 : vector<16xf32> to vector<1x16xf32>
        tpu.vector_store %arg8[%swap3A, %swap3A_314], %swap3A_317 {strides = array<i32>} : memref<80x128xf32, #tpu.memory_space<vmem>>, vector<1x16xf32>,
        %get3A_318 = arith.index_cast %add3A_307 : i32 to index
        %get3A_319 = arith.constant 16 : index
        %get3A_320 = tpu.vector_load %arg8[%get3A_318, %get3A_319] {strides = array<i32>} : memref<80x128xf32, #tpu.memory_space<vmem>>, vector<1x16xf32>,
        %get3A_321 = vector.shape_cast %get3A_320 : vector<1x16xf32> to vector<16xf32>
        %mul3A_322 = arith.constant 11.3137083 : f32
        %mul3A_323 = vector.broadcast %mul3A_322 : f32 to vector<16xf32>
        %mul3A_324 = arith.mulf %get3A_321, %mul3A_323 : vector<16xf32>
        %swap3A_325 = arith.index_cast %add3A_307 : i32 to index
        %swap3A_326 = arith.constant 16 : index
        %swap3A_327 = tpu.vector_load %arg8[%swap3A_325, %swap3A_326] {strides = array<i32>} : memref<80x128xf32, #tpu.memory_space<vmem>>, vector<1x16xf32>,
        %swap3A_328 = vector.shape_cast %swap3A_327 : vector<1x16xf32> to vector<16xf32>
        %swap3A_329 = vector.shape_cast %mul3A_324 : vector<16xf32> to vector<1x16xf32>
        tpu.vector_store %arg8[%swap3A_325, %swap3A_326], %swap3A_329 {strides = array<i32>} : memref<80x128xf32, #tpu.memory_space<vmem>>, vector<1x16xf32>,
        %get3A_330 = arith.index_cast %add3A_307 : i32 to index
        %get3A_331 = arith.constant 32 : index
        %get3A_332 = tpu.vector_load %arg8[%get3A_330, %get3A_331] {strides = array<i32>} : memref<80x128xf32, #tpu.memory_space<vmem>>, vector<1x16xf32>,
        %get3A_333 = vector.shape_cast %get3A_332 : vector<1x16xf32> to vector<16xf32>
        %mul3A_334 = arith.constant 11.3137083 : f32
        %mul3A_335 = vector.broadcast %mul3A_334 : f32 to vector<16xf32>
        %mul3A_336 = arith.mulf %get3A_333, %mul3A_335 : vector<16xf32>
        %swap3A_337 = arith.index_cast %add3A_307 : i32 to index
        %swap3A_338 = arith.constant 32 : index
        %swap3A_339 = tpu.vector_load %arg8[%swap3A_337, %swap3A_338] {strides = array<i32>} : memref<80x128xf32, #tpu.memory_space<vmem>>, vector<1x16xf32>,
        %swap3A_340 = vector.shape_cast %swap3A_339 : vector<1x16xf32> to vector<16xf32>
        %swap3A_341 = vector.shape_cast %mul3A_336 : vector<16xf32> to vector<1x16xf32>
        tpu.vector_store %arg8[%swap3A_337, %swap3A_338], %swap3A_341 {strides = array<i32>} : memref<80x128xf32, #tpu.memory_space<vmem>>, vector<1x16xf32>,
        %get3A_342 = arith.index_cast %add3A_307 : i32 to index
        %get3A_343 = arith.constant 48 : index
        %get3A_344 = tpu.vector_load %arg8[%get3A_342, %get3A_343] {strides = array<i32>} : memref<80x128xf32, #tpu.memory_space<vmem>>, vector<1x16xf32>,
        %get3A_345 = vector.shape_cast %get3A_344 : vector<1x16xf32> to vector<16xf32>
        %mul3A_346 = arith.constant 11.3137083 : f32
        %mul3A_347 = vector.broadcast %mul3A_346 : f32 to vector<16xf32>
        %mul3A_348 = arith.mulf %get3A_345, %mul3A_347 : vector<16xf32>
        %swap3A_349 = arith.index_cast %add3A_307 : i32 to index
        %swap3A_350 = arith.constant 48 : index
        %swap3A_351 = tpu.vector_load %arg8[%swap3A_349, %swap3A_350] {strides = array<i32>} : memref<80x128xf32, #tpu.memory_space<vmem>>, vector<1x16xf32>,
        %swap3A_352 = vector.shape_cast %swap3A_351 : vector<1x16xf32> to vector<16xf32>
        %swap3A_353 = vector.shape_cast %mul3A_348 : vector<16xf32> to vector<1x16xf32>
        tpu.vector_store %arg8[%swap3A_349, %swap3A_350], %swap3A_353 {strides = array<i32>} : memref<80x128xf32, #tpu.memory_space<vmem>>, vector<1x16xf32>,
        %get3A_354 = arith.index_cast %add3A_307 : i32 to index
        %get3A_355 = arith.constant 64 : index
        %get3A_356 = tpu.vector_load %arg8[%get3A_354, %get3A_355] {strides = array<i32>} : memref<80x128xf32, #tpu.memory_space<vmem>>, vector<1x16xf32>,
        %get3A_357 = vector.shape_cast %get3A_356 : vector<1x16xf32> to vector<16xf32>
        %mul3A_358 = arith.constant 11.3137083 : f32
        %mul3A_359 = vector.broadcast %mul3A_358 : f32 to vector<16xf32>
        %mul3A_360 = arith.mulf %get3A_357, %mul3A_359 : vector<16xf32>
        %swap3A_361 = arith.index_cast %add3A_307 : i32 to index
        %swap3A_362 = arith.constant 64 : index
        %swap3A_363 = tpu.vector_load %arg8[%swap3A_361, %swap3A_362] {strides = array<i32>} : memref<80x128xf32, #tpu.memory_space<vmem>>, vector<1x16xf32>,
        %swap3A_364 = vector.shape_cast %swap3A_363 : vector<1x16xf32> to vector<16xf32>
        %swap3A_365 = vector.shape_cast %mul3A_360 : vector<16xf32> to vector<1x16xf32>
        tpu.vector_store %arg8[%swap3A_361, %swap3A_362], %swap3A_365 {strides = array<i32>} : memref<80x128xf32, #tpu.memory_space<vmem>>, vector<1x16xf32>,
        %get3A_366 = arith.index_cast %add3A_307 : i32 to index
        %get3A_367 = arith.constant 80 : index
        %get3A_368 = tpu.vector_load %arg8[%get3A_366, %get3A_367] {strides = array<i32>} : memref<80x128xf32, #tpu.memory_space<vmem>>, vector<1x16xf32>,
        %get3A_369 = vector.shape_cast %get3A_368 : vector<1x16xf32> to vector<16xf32>
        %mul3A_370 = arith.constant 11.3137083 : f32
        %mul3A_371 = vector.broadcast %mul3A_370 : f32 to vector<16xf32>
        %mul3A_372 = arith.mulf %get3A_369, %mul3A_371 : vector<16xf32>
        %swap3A_373 = arith.index_cast %add3A_307 : i32 to index
        %swap3A_374 = arith.constant 80 : index
        %swap3A_375 = tpu.vector_load %arg8[%swap3A_373, %swap3A_374] {strides = array<i32>} : memref<80x128xf32, #tpu.memory_space<vmem>>, vector<1x16xf32>,
        %swap3A_376 = vector.shape_cast %swap3A_375 : vector<1x16xf32> to vector<16xf32>
        %swap3A_377 = vector.shape_cast %mul3A_372 : vector<16xf32> to vector<1x16xf32>
        tpu.vector_store %arg8[%swap3A_373, %swap3A_374], %swap3A_377 {strides = array<i32>} : memref<80x128xf32, #tpu.memory_space<vmem>>, vector<1x16xf32>,
        %get3A_378 = arith.index_cast %add3A_307 : i32 to index
        %get3A_379 = arith.constant 96 : index
        %get3A_380 = tpu.vector_load %arg8[%get3A_378, %get3A_379] {strides = array<i32>} : memref<80x128xf32, #tpu.memory_space<vmem>>, vector<1x16xf32>,
        %get3A_381 = vector.shape_cast %get3A_380 : vector<1x16xf32> to vector<16xf32>
        %mul3A_382 = arith.constant 11.3137083 : f32
        %mul3A_383 = vector.broadcast %mul3A_382 : f32 to vector<16xf32>
        %mul3A_384 = arith.mulf %get3A_381, %mul3A_383 : vector<16xf32>
        %swap3A_385 = arith.index_cast %add3A_307 : i32 to index
        %swap3A_386 = arith.constant 96 : index
        %swap3A_387 = tpu.vector_load %arg8[%swap3A_385, %swap3A_386] {strides = array<i32>} : memref<80x128xf32, #tpu.memory_space<vmem>>, vector<1x16xf32>,
        %swap3A_388 = vector.shape_cast %swap3A_387 : vector<1x16xf32> to vector<16xf32>
        %swap3A_389 = vector.shape_cast %mul3A_384 : vector<16xf32> to vector<1x16xf32>
        tpu.vector_store %arg8[%swap3A_385, %swap3A_386], %swap3A_389 {strides = array<i32>} : memref<80x128xf32, #tpu.memory_space<vmem>>, vector<1x16xf32>,
        %get3A_390 = arith.index_cast %add3A_307 : i32 to index
        %get3A_391 = arith.constant 112 : index
        %get3A_392 = tpu.vector_load %arg8[%get3A_390, %get3A_391] {strides = array<i32>} : memref<80x128xf32, #tpu.memory_space<vmem>>, vector<1x16xf32>,
        %get3A_393 = vector.shape_cast %get3A_392 : vector<1x16xf32> to vector<16xf32>
        %mul3A_394 = arith.constant 11.3137083 : f32
        %mul3A_395 = vector.broadcast %mul3A_394 : f32 to vector<16xf32>
        %mul3A_396 = arith.mulf %get3A_393, %mul3A_395 : vector<16xf32>
        %swap3A_397 = arith.index_cast %add3A_307 : i32 to index
        %swap3A_398 = arith.constant 112 : index
        %swap3A_399 = tpu.vector_load %arg8[%swap3A_397, %swap3A_398] {strides = array<i32>} : memref<80x128xf32, #tpu.memory_space<vmem>>, vector<1x16xf32>,
        %swap3A_400 = vector.shape_cast %swap3A_399 : vector<1x16xf32> to vector<16xf32>
        %swap3A_401 = vector.shape_cast %mul3A_396 : vector<16xf32> to vector<1x16xf32>
        tpu.vector_store %arg8[%swap3A_397, %swap3A_398], %swap3A_401 {strides = array<i32>} : memref<80x128xf32, #tpu.memory_space<vmem>>, vector<1x16xf32>,
      }
      %scan3A_144 = arith.constant 80 : i32
      %add3A_145 = arith.constant 2 : i32
      %add3A_146 = arith.addi %add3A_81, %add3A_145 : i32
      %mul3A_147 = arith.constant 80 : i32
      %mul3A_148 = arith.muli %add3A_146, %mul3A_147 : i32
      %add3A_149 = arith.addi %mul3A_2, %mul3A_148 : i32
      %dma_start3A_150 = arith.constant 0 : i32
      %dma_start3A_151 = tpu.memref_slice %arg4[%add3A_149, %dma_start3A_150] : memref<204800x128xf32, #tpu.memory_space<hbm>> -> memref<80x128xf32, #tpu.memory_space<hbm>>
      %dma_start3A_152 = arith.constant 0 : i32
      %dma_start3A_153 = tpu.memref_slice %arg4[%add3A_149, %dma_start3A_152] : memref<204800x128xf32, #tpu.memory_space<hbm>> -> memref<80x128xf32, #tpu.memory_space<hbm>>
      tpu.enqueue_dma source(%arg8 : memref<80x128xf32, #tpu.memory_space<vmem>>) target(%dma_start3A_153 : memref<80x128xf32, #tpu.memory_space<hbm>>) target_semaphore(%arg24 : memref<!tpu.dma_semaphore, #tpu.memory_space<semaphore_mem>>)
      %add3A_154 = arith.constant 2 : i32
      %add3A_155 = arith.addi %add3A_81, %add3A_154 : i32
      %add3A_156 = arith.constant 8 : i32
      %add3A_157 = arith.addi %add3A_155, %add3A_156 : i32
      %lt3A_158 = arith.constant 80 : i32
      %lt3A_159 = arith.cmpi slt, %add3A_157, %lt3A_158 : i32
      %convert_element_type3A_160 = arith.extui %lt3A_159 : i1 to i32
      %cond3A_161 = arith.constant 0 : i32
      %cond3A_162 = arith.cmpi ne, %convert_element_type3A_160, %cond3A_161 : i32
      scf.if %cond3A_162 {
        %dma_wait3A_303 = arith.constant 0 : i32
        %dma_wait3A_304 = tpu.memref_slice %arg4[%mul3A_2, %dma_wait3A_303] : memref<204800x128xf32, #tpu.memory_space<hbm>> -> memref<80x128xf32, #tpu.memory_space<hbm>>
        %dma_wait3A_305 = arith.constant 0 : i32
        %dma_wait3A_306 = tpu.memref_slice %arg4[%mul3A_2, %dma_wait3A_305] : memref<204800x128xf32, #tpu.memory_space<hbm>> -> memref<80x128xf32, #tpu.memory_space<hbm>>
        tpu.wait_dma2 semaphore(%arg24 : memref<!tpu.dma_semaphore, #tpu.memory_space<semaphore_mem>>) src(%arg8 : memref<80x128xf32, #tpu.memory_space<vmem>>) dst(%dma_wait3A_306 : memref<80x128xf32, #tpu.memory_space<hbm>>)
        %add3A_307 = arith.constant 2 : i32
        %add3A_308 = arith.addi %add3A_81, %add3A_307 : i32
        %add3A_309 = arith.constant 8 : i32
        %add3A_310 = arith.addi %add3A_308, %add3A_309 : i32
        %mul3A_311 = arith.constant 80 : i32
        %mul3A_312 = arith.muli %add3A_310, %mul3A_311 : i32
        %dma_start3A_313 = tpu.memref_slice %arg5[%mul3A_312] : memref<6400xi32, #tpu.memory_space<vmem>> -> memref<80xi32, #tpu.memory_space<vmem>>
        %dma_start3A_314 = arith.constant 0 : i32
        %dma_start3A_315 = arith.constant 0 : i32
        %dma_start3A_316 = tpu.memref_slice %arg2[%dma_start3A_314, %dma_start3A_315] : memref<100000x128xf32, #tpu.memory_space<hbm>> -> memref<100000x128xf32, #tpu.memory_space<hbm>>
        tpu.enqueue_indirect_dma source(%dma_start3A_316 : memref<100000x128xf32, #tpu.memory_space<hbm>>) target(%arg8 : memref<80x128xf32, #tpu.memory_space<vmem>>) offsets(%dma_start3A_313 : memref<80xi32, #tpu.memory_space<vmem>>) semaphore(%arg16 : memref<!tpu.dma_semaphore, #tpu.memory_space<semaphore_mem>>)
      } else {
      }
      %dma_wait3A_163 = arith.constant 0 : i32
      %dma_wait3A_164 = tpu.memref_slice %arg5[%dma_wait3A_163] : memref<6400xi32, #tpu.memory_space<vmem>> -> memref<80xi32, #tpu.memory_space<vmem>>
      %dma_wait3A_165 = arith.constant 0 : i32
      %dma_wait3A_166 = arith.constant 0 : i32
      %dma_wait3A_167 = tpu.memref_slice %arg2[%dma_wait3A_165, %dma_wait3A_166] : memref<100000x128xf32, #tpu.memory_space<hbm>> -> memref<100000x128xf32, #tpu.memory_space<hbm>>
      tpu.wait_indirect_dma semaphore(%arg17 : memref<!tpu.dma_semaphore, #tpu.memory_space<semaphore_mem>>) src(%dma_wait3A_167 : memref<100000x128xf32, #tpu.memory_space<hbm>>) dst(%arg9 : memref<80x128xf32, #tpu.memory_space<vmem>>)
      %scan3A_168 = arith.constant 0 : i32
      %scan3A_169 = arith.constant 80 : i32
      %scan3A_170 = arith.addi %scan3A_168, %scan3A_169 : i32
      %scan3A_171 = arith.constant 1 : i32
      scf.for %scan3A_303 = %scan3A_168 to %scan3A_170 step %scan3A_171  : i32 {
        %mul3A_304 = arith.constant 1 : i32
        %mul3A_305 = arith.muli %scan3A_303, %mul3A_304 : i32
        %add3A_306 = arith.constant 0 : i32
        %add3A_307 = arith.addi %add3A_306, %mul3A_305 : i32
        %get3A = arith.index_cast %add3A_307 : i32 to index
        %get3A_308 = arith.constant 0 : index
        %get3A_309 = tpu.vector_load %arg9[%get3A, %get3A_308] {strides = array<i32>} : memref<80x128xf32, #tpu.memory_space<vmem>>, vector<1x16xf32>,
        %get3A_310 = vector.shape_cast %get3A_309 : vector<1x16xf32> to vector<16xf32>
        %mul3A_311 = arith.constant 11.3137083 : f32
        %mul3A_312 = vector.broadcast %mul3A_311 : f32 to vector<16xf32>
        %mul3A_313 = arith.mulf %get3A_310, %mul3A_312 : vector<16xf32>
        %swap3A = arith.index_cast %add3A_307 : i32 to index
        %swap3A_314 = arith.constant 0 : index
        %swap3A_315 = tpu.vector_load %arg9[%swap3A, %swap3A_314] {strides = array<i32>} : memref<80x128xf32, #tpu.memory_space<vmem>>, vector<1x16xf32>,
        %swap3A_316 = vector.shape_cast %swap3A_315 : vector<1x16xf32> to vector<16xf32>
        %swap3A_317 = vector.shape_cast %mul3A_313 : vector<16xf32> to vector<1x16xf32>
        tpu.vector_store %arg9[%swap3A, %swap3A_314], %swap3A_317 {strides = array<i32>} : memref<80x128xf32, #tpu.memory_space<vmem>>, vector<1x16xf32>,
        %get3A_318 = arith.index_cast %add3A_307 : i32 to index
        %get3A_319 = arith.constant 16 : index
        %get3A_320 = tpu.vector_load %arg9[%get3A_318, %get3A_319] {strides = array<i32>} : memref<80x128xf32, #tpu.memory_space<vmem>>, vector<1x16xf32>,
        %get3A_321 = vector.shape_cast %get3A_320 : vector<1x16xf32> to vector<16xf32>
        %mul3A_322 = arith.constant 11.3137083 : f32
        %mul3A_323 = vector.broadcast %mul3A_322 : f32 to vector<16xf32>
        %mul3A_324 = arith.mulf %get3A_321, %mul3A_323 : vector<16xf32>
        %swap3A_325 = arith.index_cast %add3A_307 : i32 to index
        %swap3A_326 = arith.constant 16 : index
        %swap3A_327 = tpu.vector_load %arg9[%swap3A_325, %swap3A_326] {strides = array<i32>} : memref<80x128xf32, #tpu.memory_space<vmem>>, vector<1x16xf32>,
        %swap3A_328 = vector.shape_cast %swap3A_327 : vector<1x16xf32> to vector<16xf32>
        %swap3A_329 = vector.shape_cast %mul3A_324 : vector<16xf32> to vector<1x16xf32>
        tpu.vector_store %arg9[%swap3A_325, %swap3A_326], %swap3A_329 {strides = array<i32>} : memref<80x128xf32, #tpu.memory_space<vmem>>, vector<1x16xf32>,
        %get3A_330 = arith.index_cast %add3A_307 : i32 to index
        %get3A_331 = arith.constant 32 : index
        %get3A_332 = tpu.vector_load %arg9[%get3A_330, %get3A_331] {strides = array<i32>} : memref<80x128xf32, #tpu.memory_space<vmem>>, vector<1x16xf32>,
        %get3A_333 = vector.shape_cast %get3A_332 : vector<1x16xf32> to vector<16xf32>
        %mul3A_334 = arith.constant 11.3137083 : f32
        %mul3A_335 = vector.broadcast %mul3A_334 : f32 to vector<16xf32>
        %mul3A_336 = arith.mulf %get3A_333, %mul3A_335 : vector<16xf32>
        %swap3A_337 = arith.index_cast %add3A_307 : i32 to index
        %swap3A_338 = arith.constant 32 : index
        %swap3A_339 = tpu.vector_load %arg9[%swap3A_337, %swap3A_338] {strides = array<i32>} : memref<80x128xf32, #tpu.memory_space<vmem>>, vector<1x16xf32>,
        %swap3A_340 = vector.shape_cast %swap3A_339 : vector<1x16xf32> to vector<16xf32>
        %swap3A_341 = vector.shape_cast %mul3A_336 : vector<16xf32> to vector<1x16xf32>
        tpu.vector_store %arg9[%swap3A_337, %swap3A_338], %swap3A_341 {strides = array<i32>} : memref<80x128xf32, #tpu.memory_space<vmem>>, vector<1x16xf32>,
        %get3A_342 = arith.index_cast %add3A_307 : i32 to index
        %get3A_343 = arith.constant 48 : index
        %get3A_344 = tpu.vector_load %arg9[%get3A_342, %get3A_343] {strides = array<i32>} : memref<80x128xf32, #tpu.memory_space<vmem>>, vector<1x16xf32>,
        %get3A_345 = vector.shape_cast %get3A_344 : vector<1x16xf32> to vector<16xf32>
        %mul3A_346 = arith.constant 11.3137083 : f32
        %mul3A_347 = vector.broadcast %mul3A_346 : f32 to vector<16xf32>
        %mul3A_348 = arith.mulf %get3A_345, %mul3A_347 : vector<16xf32>
        %swap3A_349 = arith.index_cast %add3A_307 : i32 to index
        %swap3A_350 = arith.constant 48 : index
        %swap3A_351 = tpu.vector_load %arg9[%swap3A_349, %swap3A_350] {strides = array<i32>} : memref<80x128xf32, #tpu.memory_space<vmem>>, vector<1x16xf32>,
        %swap3A_352 = vector.shape_cast %swap3A_351 : vector<1x16xf32> to vector<16xf32>
        %swap3A_353 = vector.shape_cast %mul3A_348 : vector<16xf32> to vector<1x16xf32>
        tpu.vector_store %arg9[%swap3A_349, %swap3A_350], %swap3A_353 {strides = array<i32>} : memref<80x128xf32, #tpu.memory_space<vmem>>, vector<1x16xf32>,
        %get3A_354 = arith.index_cast %add3A_307 : i32 to index
        %get3A_355 = arith.constant 64 : index
        %get3A_356 = tpu.vector_load %arg9[%get3A_354, %get3A_355] {strides = array<i32>} : memref<80x128xf32, #tpu.memory_space<vmem>>, vector<1x16xf32>,
        %get3A_357 = vector.shape_cast %get3A_356 : vector<1x16xf32> to vector<16xf32>
        %mul3A_358 = arith.constant 11.3137083 : f32
        %mul3A_359 = vector.broadcast %mul3A_358 : f32 to vector<16xf32>
        %mul3A_360 = arith.mulf %get3A_357, %mul3A_359 : vector<16xf32>
        %swap3A_361 = arith.index_cast %add3A_307 : i32 to index
        %swap3A_362 = arith.constant 64 : index
        %swap3A_363 = tpu.vector_load %arg9[%swap3A_361, %swap3A_362] {strides = array<i32>} : memref<80x128xf32, #tpu.memory_space<vmem>>, vector<1x16xf32>,
        %swap3A_364 = vector.shape_cast %swap3A_363 : vector<1x16xf32> to vector<16xf32>
        %swap3A_365 = vector.shape_cast %mul3A_360 : vector<16xf32> to vector<1x16xf32>
        tpu.vector_store %arg9[%swap3A_361, %swap3A_362], %swap3A_365 {strides = array<i32>} : memref<80x128xf32, #tpu.memory_space<vmem>>, vector<1x16xf32>,
        %get3A_366 = arith.index_cast %add3A_307 : i32 to index
        %get3A_367 = arith.constant 80 : index
        %get3A_368 = tpu.vector_load %arg9[%get3A_366, %get3A_367] {strides = array<i32>} : memref<80x128xf32, #tpu.memory_space<vmem>>, vector<1x16xf32>,
        %get3A_369 = vector.shape_cast %get3A_368 : vector<1x16xf32> to vector<16xf32>
        %mul3A_370 = arith.constant 11.3137083 : f32
        %mul3A_371 = vector.broadcast %mul3A_370 : f32 to vector<16xf32>
        %mul3A_372 = arith.mulf %get3A_369, %mul3A_371 : vector<16xf32>
        %swap3A_373 = arith.index_cast %add3A_307 : i32 to index
        %swap3A_374 = arith.constant 80 : index
        %swap3A_375 = tpu.vector_load %arg9[%swap3A_373, %swap3A_374] {strides = array<i32>} : memref<80x128xf32, #tpu.memory_space<vmem>>, vector<1x16xf32>,
        %swap3A_376 = vector.shape_cast %swap3A_375 : vector<1x16xf32> to vector<16xf32>
        %swap3A_377 = vector.shape_cast %mul3A_372 : vector<16xf32> to vector<1x16xf32>
        tpu.vector_store %arg9[%swap3A_373, %swap3A_374], %swap3A_377 {strides = array<i32>} : memref<80x128xf32, #tpu.memory_space<vmem>>, vector<1x16xf32>,
        %get3A_378 = arith.index_cast %add3A_307 : i32 to index
        %get3A_379 = arith.constant 96 : index
        %get3A_380 = tpu.vector_load %arg9[%get3A_378, %get3A_379] {strides = array<i32>} : memref<80x128xf32, #tpu.memory_space<vmem>>, vector<1x16xf32>,
        %get3A_381 = vector.shape_cast %get3A_380 : vector<1x16xf32> to vector<16xf32>
        %mul3A_382 = arith.constant 11.3137083 : f32
        %mul3A_383 = vector.broadcast %mul3A_382 : f32 to vector<16xf32>
        %mul3A_384 = arith.mulf %get3A_381, %mul3A_383 : vector<16xf32>
        %swap3A_385 = arith.index_cast %add3A_307 : i32 to index
        %swap3A_386 = arith.constant 96 : index
        %swap3A_387 = tpu.vector_load %arg9[%swap3A_385, %swap3A_386] {strides = array<i32>} : memref<80x128xf32, #tpu.memory_space<vmem>>, vector<1x16xf32>,
        %swap3A_388 = vector.shape_cast %swap3A_387 : vector<1x16xf32> to vector<16xf32>
        %swap3A_389 = vector.shape_cast %mul3A_384 : vector<16xf32> to vector<1x16xf32>
        tpu.vector_store %arg9[%swap3A_385, %swap3A_386], %swap3A_389 {strides = array<i32>} : memref<80x128xf32, #tpu.memory_space<vmem>>, vector<1x16xf32>,
        %get3A_390 = arith.index_cast %add3A_307 : i32 to index
        %get3A_391 = arith.constant 112 : index
        %get3A_392 = tpu.vector_load %arg9[%get3A_390, %get3A_391] {strides = array<i32>} : memref<80x128xf32, #tpu.memory_space<vmem>>, vector<1x16xf32>,
        %get3A_393 = vector.shape_cast %get3A_392 : vector<1x16xf32> to vector<16xf32>
        %mul3A_394 = arith.constant 11.3137083 : f32
        %mul3A_395 = vector.broadcast %mul3A_394 : f32 to vector<16xf32>
        %mul3A_396 = arith.mulf %get3A_393, %mul3A_395 : vector<16xf32>
        %swap3A_397 = arith.index_cast %add3A_307 : i32 to index
        %swap3A_398 = arith.constant 112 : index
        %swap3A_399 = tpu.vector_load %arg9[%swap3A_397, %swap3A_398] {strides = array<i32>} : memref<80x128xf32, #tpu.memory_space<vmem>>, vector<1x16xf32>,
        %swap3A_400 = vector.shape_cast %swap3A_399 : vector<1x16xf32> to vector<16xf32>
        %swap3A_401 = vector.shape_cast %mul3A_396 : vector<16xf32> to vector<1x16xf32>
        tpu.vector_store %arg9[%swap3A_397, %swap3A_398], %swap3A_401 {strides = array<i32>} : memref<80x128xf32, #tpu.memory_space<vmem>>, vector<1x16xf32>,
      }
      %scan3A_172 = arith.constant 80 : i32
      %add3A_173 = arith.constant 3 : i32
      %add3A_174 = arith.addi %add3A_81, %add3A_173 : i32
      %mul3A_175 = arith.constant 80 : i32
      %mul3A_176 = arith.muli %add3A_174, %mul3A_175 : i32
      %add3A_177 = arith.addi %mul3A_2, %mul3A_176 : i32
      %dma_start3A_178 = arith.constant 0 : i32
      %dma_start3A_179 = tpu.memref_slice %arg4[%add3A_177, %dma_start3A_178] : memref<204800x128xf32, #tpu.memory_space<hbm>> -> memref<80x128xf32, #tpu.memory_space<hbm>>
      %dma_start3A_180 = arith.constant 0 : i32
      %dma_start3A_181 = tpu.memref_slice %arg4[%add3A_177, %dma_start3A_180] : memref<204800x128xf32, #tpu.memory_space<hbm>> -> memref<80x128xf32, #tpu.memory_space<hbm>>
      tpu.enqueue_dma source(%arg9 : memref<80x128xf32, #tpu.memory_space<vmem>>) target(%dma_start3A_181 : memref<80x128xf32, #tpu.memory_space<hbm>>) target_semaphore(%arg25 : memref<!tpu.dma_semaphore, #tpu.memory_space<semaphore_mem>>)
      %add3A_182 = arith.constant 3 : i32
      %add3A_183 = arith.addi %add3A_81, %add3A_182 : i32
      %add3A_184 = arith.constant 8 : i32
      %add3A_185 = arith.addi %add3A_183, %add3A_184 : i32
      %lt3A_186 = arith.constant 80 : i32
      %lt3A_187 = arith.cmpi slt, %add3A_185, %lt3A_186 : i32
      %convert_element_type3A_188 = arith.extui %lt3A_187 : i1 to i32
      %cond3A_189 = arith.constant 0 : i32
      %cond3A_190 = arith.cmpi ne, %convert_element_type3A_188, %cond3A_189 : i32
      scf.if %cond3A_190 {
        %dma_wait3A_303 = arith.constant 0 : i32
        %dma_wait3A_304 = tpu.memref_slice %arg4[%mul3A_2, %dma_wait3A_303] : memref<204800x128xf32, #tpu.memory_space<hbm>> -> memref<80x128xf32, #tpu.memory_space<hbm>>
        %dma_wait3A_305 = arith.constant 0 : i32
        %dma_wait3A_306 = tpu.memref_slice %arg4[%mul3A_2, %dma_wait3A_305] : memref<204800x128xf32, #tpu.memory_space<hbm>> -> memref<80x128xf32, #tpu.memory_space<hbm>>
        tpu.wait_dma2 semaphore(%arg25 : memref<!tpu.dma_semaphore, #tpu.memory_space<semaphore_mem>>) src(%arg9 : memref<80x128xf32, #tpu.memory_space<vmem>>) dst(%dma_wait3A_306 : memref<80x128xf32, #tpu.memory_space<hbm>>)
        %add3A_307 = arith.constant 3 : i32
        %add3A_308 = arith.addi %add3A_81, %add3A_307 : i32
        %add3A_309 = arith.constant 8 : i32
        %add3A_310 = arith.addi %add3A_308, %add3A_309 : i32
        %mul3A_311 = arith.constant 80 : i32
        %mul3A_312 = arith.muli %add3A_310, %mul3A_311 : i32
        %dma_start3A_313 = tpu.memref_slice %arg5[%mul3A_312] : memref<6400xi32, #tpu.memory_space<vmem>> -> memref<80xi32, #tpu.memory_space<vmem>>
        %dma_start3A_314 = arith.constant 0 : i32
        %dma_start3A_315 = arith.constant 0 : i32
        %dma_start3A_316 = tpu.memref_slice %arg2[%dma_start3A_314, %dma_start3A_315] : memref<100000x128xf32, #tpu.memory_space<hbm>> -> memref<100000x128xf32, #tpu.memory_space<hbm>>
        tpu.enqueue_indirect_dma source(%dma_start3A_316 : memref<100000x128xf32, #tpu.memory_space<hbm>>) target(%arg9 : memref<80x128xf32, #tpu.memory_space<vmem>>) offsets(%dma_start3A_313 : memref<80xi32, #tpu.memory_space<vmem>>) semaphore(%arg17 : memref<!tpu.dma_semaphore, #tpu.memory_space<semaphore_mem>>)
      } else {
      }
      %dma_wait3A_191 = arith.constant 0 : i32
      %dma_wait3A_192 = tpu.memref_slice %arg5[%dma_wait3A_191] : memref<6400xi32, #tpu.memory_space<vmem>> -> memref<80xi32, #tpu.memory_space<vmem>>
      %dma_wait3A_193 = arith.constant 0 : i32
      %dma_wait3A_194 = arith.constant 0 : i32
      %dma_wait3A_195 = tpu.memref_slice %arg2[%dma_wait3A_193, %dma_wait3A_194] : memref<100000x128xf32, #tpu.memory_space<hbm>> -> memref<100000x128xf32, #tpu.memory_space<hbm>>
      tpu.wait_indirect_dma semaphore(%arg18 : memref<!tpu.dma_semaphore, #tpu.memory_space<semaphore_mem>>) src(%dma_wait3A_195 : memref<100000x128xf32, #tpu.memory_space<hbm>>) dst(%arg10 : memref<80x128xf32, #tpu.memory_space<vmem>>)
      %scan3A_196 = arith.constant 0 : i32
      %scan3A_197 = arith.constant 80 : i32
      %scan3A_198 = arith.addi %scan3A_196, %scan3A_197 : i32
      %scan3A_199 = arith.constant 1 : i32
      scf.for %scan3A_303 = %scan3A_196 to %scan3A_198 step %scan3A_199  : i32 {
        %mul3A_304 = arith.constant 1 : i32
        %mul3A_305 = arith.muli %scan3A_303, %mul3A_304 : i32
        %add3A_306 = arith.constant 0 : i32
        %add3A_307 = arith.addi %add3A_306, %mul3A_305 : i32
        %get3A = arith.index_cast %add3A_307 : i32 to index
        %get3A_308 = arith.constant 0 : index
        %get3A_309 = tpu.vector_load %arg10[%get3A, %get3A_308] {strides = array<i32>} : memref<80x128xf32, #tpu.memory_space<vmem>>, vector<1x16xf32>,
        %get3A_310 = vector.shape_cast %get3A_309 : vector<1x16xf32> to vector<16xf32>
        %mul3A_311 = arith.constant 11.3137083 : f32
        %mul3A_312 = vector.broadcast %mul3A_311 : f32 to vector<16xf32>
        %mul3A_313 = arith.mulf %get3A_310, %mul3A_312 : vector<16xf32>
        %swap3A = arith.index_cast %add3A_307 : i32 to index
        %swap3A_314 = arith.constant 0 : index
        %swap3A_315 = tpu.vector_load %arg10[%swap3A, %swap3A_314] {strides = array<i32>} : memref<80x128xf32, #tpu.memory_space<vmem>>, vector<1x16xf32>,
        %swap3A_316 = vector.shape_cast %swap3A_315 : vector<1x16xf32> to vector<16xf32>
        %swap3A_317 = vector.shape_cast %mul3A_313 : vector<16xf32> to vector<1x16xf32>
        tpu.vector_store %arg10[%swap3A, %swap3A_314], %swap3A_317 {strides = array<i32>} : memref<80x128xf32, #tpu.memory_space<vmem>>, vector<1x16xf32>,
        %get3A_318 = arith.index_cast %add3A_307 : i32 to index
        %get3A_319 = arith.constant 16 : index
        %get3A_320 = tpu.vector_load %arg10[%get3A_318, %get3A_319] {strides = array<i32>} : memref<80x128xf32, #tpu.memory_space<vmem>>, vector<1x16xf32>,
        %get3A_321 = vector.shape_cast %get3A_320 : vector<1x16xf32> to vector<16xf32>
        %mul3A_322 = arith.constant 11.3137083 : f32
        %mul3A_323 = vector.broadcast %mul3A_322 : f32 to vector<16xf32>
        %mul3A_324 = arith.mulf %get3A_321, %mul3A_323 : vector<16xf32>
        %swap3A_325 = arith.index_cast %add3A_307 : i32 to index
        %swap3A_326 = arith.constant 16 : index
        %swap3A_327 = tpu.vector_load %arg10[%swap3A_325, %swap3A_326] {strides = array<i32>} : memref<80x128xf32, #tpu.memory_space<vmem>>, vector<1x16xf32>,
        %swap3A_328 = vector.shape_cast %swap3A_327 : vector<1x16xf32> to vector<16xf32>
        %swap3A_329 = vector.shape_cast %mul3A_324 : vector<16xf32> to vector<1x16xf32>
        tpu.vector_store %arg10[%swap3A_325, %swap3A_326], %swap3A_329 {strides = array<i32>} : memref<80x128xf32, #tpu.memory_space<vmem>>, vector<1x16xf32>,
        %get3A_330 = arith.index_cast %add3A_307 : i32 to index
        %get3A_331 = arith.constant 32 : index
        %get3A_332 = tpu.vector_load %arg10[%get3A_330, %get3A_331] {strides = array<i32>} : memref<80x128xf32, #tpu.memory_space<vmem>>, vector<1x16xf32>,
        %get3A_333 = vector.shape_cast %get3A_332 : vector<1x16xf32> to vector<16xf32>
        %mul3A_334 = arith.constant 11.3137083 : f32
        %mul3A_335 = vector.broadcast %mul3A_334 : f32 to vector<16xf32>
        %mul3A_336 = arith.mulf %get3A_333, %mul3A_335 : vector<16xf32>
        %swap3A_337 = arith.index_cast %add3A_307 : i32 to index
        %swap3A_338 = arith.constant 32 : index
        %swap3A_339 = tpu.vector_load %arg10[%swap3A_337, %swap3A_338] {strides = array<i32>} : memref<80x128xf32, #tpu.memory_space<vmem>>, vector<1x16xf32>,
        %swap3A_340 = vector.shape_cast %swap3A_339 : vector<1x16xf32> to vector<16xf32>
        %swap3A_341 = vector.shape_cast %mul3A_336 : vector<16xf32> to vector<1x16xf32>
        tpu.vector_store %arg10[%swap3A_337, %swap3A_338], %swap3A_341 {strides = array<i32>} : memref<80x128xf32, #tpu.memory_space<vmem>>, vector<1x16xf32>,
        %get3A_342 = arith.index_cast %add3A_307 : i32 to index
        %get3A_343 = arith.constant 48 : index
        %get3A_344 = tpu.vector_load %arg10[%get3A_342, %get3A_343] {strides = array<i32>} : memref<80x128xf32, #tpu.memory_space<vmem>>, vector<1x16xf32>,
        %get3A_345 = vector.shape_cast %get3A_344 : vector<1x16xf32> to vector<16xf32>
        %mul3A_346 = arith.constant 11.3137083 : f32
        %mul3A_347 = vector.broadcast %mul3A_346 : f32 to vector<16xf32>
        %mul3A_348 = arith.mulf %get3A_345, %mul3A_347 : vector<16xf32>
        %swap3A_349 = arith.index_cast %add3A_307 : i32 to index
        %swap3A_350 = arith.constant 48 : index
        %swap3A_351 = tpu.vector_load %arg10[%swap3A_349, %swap3A_350] {strides = array<i32>} : memref<80x128xf32, #tpu.memory_space<vmem>>, vector<1x16xf32>,
        %swap3A_352 = vector.shape_cast %swap3A_351 : vector<1x16xf32> to vector<16xf32>
        %swap3A_353 = vector.shape_cast %mul3A_348 : vector<16xf32> to vector<1x16xf32>
        tpu.vector_store %arg10[%swap3A_349, %swap3A_350], %swap3A_353 {strides = array<i32>} : memref<80x128xf32, #tpu.memory_space<vmem>>, vector<1x16xf32>,
        %get3A_354 = arith.index_cast %add3A_307 : i32 to index
        %get3A_355 = arith.constant 64 : index
        %get3A_356 = tpu.vector_load %arg10[%get3A_354, %get3A_355] {strides = array<i32>} : memref<80x128xf32, #tpu.memory_space<vmem>>, vector<1x16xf32>,
        %get3A_357 = vector.shape_cast %get3A_356 : vector<1x16xf32> to vector<16xf32>
        %mul3A_358 = arith.constant 11.3137083 : f32
        %mul3A_359 = vector.broadcast %mul3A_358 : f32 to vector<16xf32>
        %mul3A_360 = arith.mulf %get3A_357, %mul3A_359 : vector<16xf32>
        %swap3A_361 = arith.index_cast %add3A_307 : i32 to index
        %swap3A_362 = arith.constant 64 : index
        %swap3A_363 = tpu.vector_load %arg10[%swap3A_361, %swap3A_362] {strides = array<i32>} : memref<80x128xf32, #tpu.memory_space<vmem>>, vector<1x16xf32>,
        %swap3A_364 = vector.shape_cast %swap3A_363 : vector<1x16xf32> to vector<16xf32>
        %swap3A_365 = vector.shape_cast %mul3A_360 : vector<16xf32> to vector<1x16xf32>
        tpu.vector_store %arg10[%swap3A_361, %swap3A_362], %swap3A_365 {strides = array<i32>} : memref<80x128xf32, #tpu.memory_space<vmem>>, vector<1x16xf32>,
        %get3A_366 = arith.index_cast %add3A_307 : i32 to index
        %get3A_367 = arith.constant 80 : index
        %get3A_368 = tpu.vector_load %arg10[%get3A_366, %get3A_367] {strides = array<i32>} : memref<80x128xf32, #tpu.memory_space<vmem>>, vector<1x16xf32>,
        %get3A_369 = vector.shape_cast %get3A_368 : vector<1x16xf32> to vector<16xf32>
        %mul3A_370 = arith.constant 11.3137083 : f32
        %mul3A_371 = vector.broadcast %mul3A_370 : f32 to vector<16xf32>
        %mul3A_372 = arith.mulf %get3A_369, %mul3A_371 : vector<16xf32>
        %swap3A_373 = arith.index_cast %add3A_307 : i32 to index
        %swap3A_374 = arith.constant 80 : index
        %swap3A_375 = tpu.vector_load %arg10[%swap3A_373, %swap3A_374] {strides = array<i32>} : memref<80x128xf32, #tpu.memory_space<vmem>>, vector<1x16xf32>,
        %swap3A_376 = vector.shape_cast %swap3A_375 : vector<1x16xf32> to vector<16xf32>
        %swap3A_377 = vector.shape_cast %mul3A_372 : vector<16xf32> to vector<1x16xf32>
        tpu.vector_store %arg10[%swap3A_373, %swap3A_374], %swap3A_377 {strides = array<i32>} : memref<80x128xf32, #tpu.memory_space<vmem>>, vector<1x16xf32>,
        %get3A_378 = arith.index_cast %add3A_307 : i32 to index
        %get3A_379 = arith.constant 96 : index
        %get3A_380 = tpu.vector_load %arg10[%get3A_378, %get3A_379] {strides = array<i32>} : memref<80x128xf32, #tpu.memory_space<vmem>>, vector<1x16xf32>,
        %get3A_381 = vector.shape_cast %get3A_380 : vector<1x16xf32> to vector<16xf32>
        %mul3A_382 = arith.constant 11.3137083 : f32
        %mul3A_383 = vector.broadcast %mul3A_382 : f32 to vector<16xf32>
        %mul3A_384 = arith.mulf %get3A_381, %mul3A_383 : vector<16xf32>
        %swap3A_385 = arith.index_cast %add3A_307 : i32 to index
        %swap3A_386 = arith.constant 96 : index
        %swap3A_387 = tpu.vector_load %arg10[%swap3A_385, %swap3A_386] {strides = array<i32>} : memref<80x128xf32, #tpu.memory_space<vmem>>, vector<1x16xf32>,
        %swap3A_388 = vector.shape_cast %swap3A_387 : vector<1x16xf32> to vector<16xf32>
        %swap3A_389 = vector.shape_cast %mul3A_384 : vector<16xf32> to vector<1x16xf32>
        tpu.vector_store %arg10[%swap3A_385, %swap3A_386], %swap3A_389 {strides = array<i32>} : memref<80x128xf32, #tpu.memory_space<vmem>>, vector<1x16xf32>,
        %get3A_390 = arith.index_cast %add3A_307 : i32 to index
        %get3A_391 = arith.constant 112 : index
        %get3A_392 = tpu.vector_load %arg10[%get3A_390, %get3A_391] {strides = array<i32>} : memref<80x128xf32, #tpu.memory_space<vmem>>, vector<1x16xf32>,
        %get3A_393 = vector.shape_cast %get3A_392 : vector<1x16xf32> to vector<16xf32>
        %mul3A_394 = arith.constant 11.3137083 : f32
        %mul3A_395 = vector.broadcast %mul3A_394 : f32 to vector<16xf32>
        %mul3A_396 = arith.mulf %get3A_393, %mul3A_395 : vector<16xf32>
        %swap3A_397 = arith.index_cast %add3A_307 : i32 to index
        %swap3A_398 = arith.constant 112 : index
        %swap3A_399 = tpu.vector_load %arg10[%swap3A_397, %swap3A_398] {strides = array<i32>} : memref<80x128xf32, #tpu.memory_space<vmem>>, vector<1x16xf32>,
        %swap3A_400 = vector.shape_cast %swap3A_399 : vector<1x16xf32> to vector<16xf32>
        %swap3A_401 = vector.shape_cast %mul3A_396 : vector<16xf32> to vector<1x16xf32>
        tpu.vector_store %arg10[%swap3A_397, %swap3A_398], %swap3A_401 {strides = array<i32>} : memref<80x128xf32, #tpu.memory_space<vmem>>, vector<1x16xf32>,
      }
      %scan3A_200 = arith.constant 80 : i32
      %add3A_201 = arith.constant 4 : i32
      %add3A_202 = arith.addi %add3A_81, %add3A_201 : i32
      %mul3A_203 = arith.constant 80 : i32
      %mul3A_204 = arith.muli %add3A_202, %mul3A_203 : i32
      %add3A_205 = arith.addi %mul3A_2, %mul3A_204 : i32
      %dma_start3A_206 = arith.constant 0 : i32
      %dma_start3A_207 = tpu.memref_slice %arg4[%add3A_205, %dma_start3A_206] : memref<204800x128xf32, #tpu.memory_space<hbm>> -> memref<80x128xf32, #tpu.memory_space<hbm>>
      %dma_start3A_208 = arith.constant 0 : i32
      %dma_start3A_209 = tpu.memref_slice %arg4[%add3A_205, %dma_start3A_208] : memref<204800x128xf32, #tpu.memory_space<hbm>> -> memref<80x128xf32, #tpu.memory_space<hbm>>
      tpu.enqueue_dma source(%arg10 : memref<80x128xf32, #tpu.memory_space<vmem>>) target(%dma_start3A_209 : memref<80x128xf32, #tpu.memory_space<hbm>>) target_semaphore(%arg26 : memref<!tpu.dma_semaphore, #tpu.memory_space<semaphore_mem>>)
      %add3A_210 = arith.constant 4 : i32
      %add3A_211 = arith.addi %add3A_81, %add3A_210 : i32
      %add3A_212 = arith.constant 8 : i32
      %add3A_213 = arith.addi %add3A_211, %add3A_212 : i32
      %lt3A_214 = arith.constant 80 : i32
      %lt3A_215 = arith.cmpi slt, %add3A_213, %lt3A_214 : i32
      %convert_element_type3A_216 = arith.extui %lt3A_215 : i1 to i32
      %cond3A_217 = arith.constant 0 : i32
      %cond3A_218 = arith.cmpi ne, %convert_element_type3A_216, %cond3A_217 : i32
      scf.if %cond3A_218 {
        %dma_wait3A_303 = arith.constant 0 : i32
        %dma_wait3A_304 = tpu.memref_slice %arg4[%mul3A_2, %dma_wait3A_303] : memref<204800x128xf32, #tpu.memory_space<hbm>> -> memref<80x128xf32, #tpu.memory_space<hbm>>
        %dma_wait3A_305 = arith.constant 0 : i32
        %dma_wait3A_306 = tpu.memref_slice %arg4[%mul3A_2, %dma_wait3A_305] : memref<204800x128xf32, #tpu.memory_space<hbm>> -> memref<80x128xf32, #tpu.memory_space<hbm>>
        tpu.wait_dma2 semaphore(%arg26 : memref<!tpu.dma_semaphore, #tpu.memory_space<semaphore_mem>>) src(%arg10 : memref<80x128xf32, #tpu.memory_space<vmem>>) dst(%dma_wait3A_306 : memref<80x128xf32, #tpu.memory_space<hbm>>)
        %add3A_307 = arith.constant 4 : i32
        %add3A_308 = arith.addi %add3A_81, %add3A_307 : i32
        %add3A_309 = arith.constant 8 : i32
        %add3A_310 = arith.addi %add3A_308, %add3A_309 : i32
        %mul3A_311 = arith.constant 80 : i32
        %mul3A_312 = arith.muli %add3A_310, %mul3A_311 : i32
        %dma_start3A_313 = tpu.memref_slice %arg5[%mul3A_312] : memref<6400xi32, #tpu.memory_space<vmem>> -> memref<80xi32, #tpu.memory_space<vmem>>
        %dma_start3A_314 = arith.constant 0 : i32
        %dma_start3A_315 = arith.constant 0 : i32
        %dma_start3A_316 = tpu.memref_slice %arg2[%dma_start3A_314, %dma_start3A_315] : memref<100000x128xf32, #tpu.memory_space<hbm>> -> memref<100000x128xf32, #tpu.memory_space<hbm>>
        tpu.enqueue_indirect_dma source(%dma_start3A_316 : memref<100000x128xf32, #tpu.memory_space<hbm>>) target(%arg10 : memref<80x128xf32, #tpu.memory_space<vmem>>) offsets(%dma_start3A_313 : memref<80xi32, #tpu.memory_space<vmem>>) semaphore(%arg18 : memref<!tpu.dma_semaphore, #tpu.memory_space<semaphore_mem>>)
      } else {
      }
      %dma_wait3A_219 = arith.constant 0 : i32
      %dma_wait3A_220 = tpu.memref_slice %arg5[%dma_wait3A_219] : memref<6400xi32, #tpu.memory_space<vmem>> -> memref<80xi32, #tpu.memory_space<vmem>>
      %dma_wait3A_221 = arith.constant 0 : i32
      %dma_wait3A_222 = arith.constant 0 : i32
      %dma_wait3A_223 = tpu.memref_slice %arg2[%dma_wait3A_221, %dma_wait3A_222] : memref<100000x128xf32, #tpu.memory_space<hbm>> -> memref<100000x128xf32, #tpu.memory_space<hbm>>
      tpu.wait_indirect_dma semaphore(%arg19 : memref<!tpu.dma_semaphore, #tpu.memory_space<semaphore_mem>>) src(%dma_wait3A_223 : memref<100000x128xf32, #tpu.memory_space<hbm>>) dst(%arg11 : memref<80x128xf32, #tpu.memory_space<vmem>>)
      %scan3A_224 = arith.constant 0 : i32
      %scan3A_225 = arith.constant 80 : i32
      %scan3A_226 = arith.addi %scan3A_224, %scan3A_225 : i32
      %scan3A_227 = arith.constant 1 : i32
      scf.for %scan3A_303 = %scan3A_224 to %scan3A_226 step %scan3A_227  : i32 {
        %mul3A_304 = arith.constant 1 : i32
        %mul3A_305 = arith.muli %scan3A_303, %mul3A_304 : i32
        %add3A_306 = arith.constant 0 : i32
        %add3A_307 = arith.addi %add3A_306, %mul3A_305 : i32
        %get3A = arith.index_cast %add3A_307 : i32 to index
        %get3A_308 = arith.constant 0 : index
        %get3A_309 = tpu.vector_load %arg11[%get3A, %get3A_308] {strides = array<i32>} : memref<80x128xf32, #tpu.memory_space<vmem>>, vector<1x16xf32>,
        %get3A_310 = vector.shape_cast %get3A_309 : vector<1x16xf32> to vector<16xf32>
        %mul3A_311 = arith.constant 11.3137083 : f32
        %mul3A_312 = vector.broadcast %mul3A_311 : f32 to vector<16xf32>
        %mul3A_313 = arith.mulf %get3A_310, %mul3A_312 : vector<16xf32>
        %swap3A = arith.index_cast %add3A_307 : i32 to index
        %swap3A_314 = arith.constant 0 : index
        %swap3A_315 = tpu.vector_load %arg11[%swap3A, %swap3A_314] {strides = array<i32>} : memref<80x128xf32, #tpu.memory_space<vmem>>, vector<1x16xf32>,
        %swap3A_316 = vector.shape_cast %swap3A_315 : vector<1x16xf32> to vector<16xf32>
        %swap3A_317 = vector.shape_cast %mul3A_313 : vector<16xf32> to vector<1x16xf32>
        tpu.vector_store %arg11[%swap3A, %swap3A_314], %swap3A_317 {strides = array<i32>} : memref<80x128xf32, #tpu.memory_space<vmem>>, vector<1x16xf32>,
        %get3A_318 = arith.index_cast %add3A_307 : i32 to index
        %get3A_319 = arith.constant 16 : index
        %get3A_320 = tpu.vector_load %arg11[%get3A_318, %get3A_319] {strides = array<i32>} : memref<80x128xf32, #tpu.memory_space<vmem>>, vector<1x16xf32>,
        %get3A_321 = vector.shape_cast %get3A_320 : vector<1x16xf32> to vector<16xf32>
        %mul3A_322 = arith.constant 11.3137083 : f32
        %mul3A_323 = vector.broadcast %mul3A_322 : f32 to vector<16xf32>
        %mul3A_324 = arith.mulf %get3A_321, %mul3A_323 : vector<16xf32>
        %swap3A_325 = arith.index_cast %add3A_307 : i32 to index
        %swap3A_326 = arith.constant 16 : index
        %swap3A_327 = tpu.vector_load %arg11[%swap3A_325, %swap3A_326] {strides = array<i32>} : memref<80x128xf32, #tpu.memory_space<vmem>>, vector<1x16xf32>,
        %swap3A_328 = vector.shape_cast %swap3A_327 : vector<1x16xf32> to vector<16xf32>
        %swap3A_329 = vector.shape_cast %mul3A_324 : vector<16xf32> to vector<1x16xf32>
        tpu.vector_store %arg11[%swap3A_325, %swap3A_326], %swap3A_329 {strides = array<i32>} : memref<80x128xf32, #tpu.memory_space<vmem>>, vector<1x16xf32>,
        %get3A_330 = arith.index_cast %add3A_307 : i32 to index
        %get3A_331 = arith.constant 32 : index
        %get3A_332 = tpu.vector_load %arg11[%get3A_330, %get3A_331] {strides = array<i32>} : memref<80x128xf32, #tpu.memory_space<vmem>>, vector<1x16xf32>,
        %get3A_333 = vector.shape_cast %get3A_332 : vector<1x16xf32> to vector<16xf32>
        %mul3A_334 = arith.constant 11.3137083 : f32
        %mul3A_335 = vector.broadcast %mul3A_334 : f32 to vector<16xf32>
        %mul3A_336 = arith.mulf %get3A_333, %mul3A_335 : vector<16xf32>
        %swap3A_337 = arith.index_cast %add3A_307 : i32 to index
        %swap3A_338 = arith.constant 32 : index
        %swap3A_339 = tpu.vector_load %arg11[%swap3A_337, %swap3A_338] {strides = array<i32>} : memref<80x128xf32, #tpu.memory_space<vmem>>, vector<1x16xf32>,
        %swap3A_340 = vector.shape_cast %swap3A_339 : vector<1x16xf32> to vector<16xf32>
        %swap3A_341 = vector.shape_cast %mul3A_336 : vector<16xf32> to vector<1x16xf32>
        tpu.vector_store %arg11[%swap3A_337, %swap3A_338], %swap3A_341 {strides = array<i32>} : memref<80x128xf32, #tpu.memory_space<vmem>>, vector<1x16xf32>,
        %get3A_342 = arith.index_cast %add3A_307 : i32 to index
        %get3A_343 = arith.constant 48 : index
        %get3A_344 = tpu.vector_load %arg11[%get3A_342, %get3A_343] {strides = array<i32>} : memref<80x128xf32, #tpu.memory_space<vmem>>, vector<1x16xf32>,
        %get3A_345 = vector.shape_cast %get3A_344 : vector<1x16xf32> to vector<16xf32>
        %mul3A_346 = arith.constant 11.3137083 : f32
        %mul3A_347 = vector.broadcast %mul3A_346 : f32 to vector<16xf32>
        %mul3A_348 = arith.mulf %get3A_345, %mul3A_347 : vector<16xf32>
        %swap3A_349 = arith.index_cast %add3A_307 : i32 to index
        %swap3A_350 = arith.constant 48 : index
        %swap3A_351 = tpu.vector_load %arg11[%swap3A_349, %swap3A_350] {strides = array<i32>} : memref<80x128xf32, #tpu.memory_space<vmem>>, vector<1x16xf32>,
        %swap3A_352 = vector.shape_cast %swap3A_351 : vector<1x16xf32> to vector<16xf32>
        %swap3A_353 = vector.shape_cast %mul3A_348 : vector<16xf32> to vector<1x16xf32>
        tpu.vector_store %arg11[%swap3A_349, %swap3A_350], %swap3A_353 {strides = array<i32>} : memref<80x128xf32, #tpu.memory_space<vmem>>, vector<1x16xf32>,
        %get3A_354 = arith.index_cast %add3A_307 : i32 to index
        %get3A_355 = arith.constant 64 : index
        %get3A_356 = tpu.vector_load %arg11[%get3A_354, %get3A_355] {strides = array<i32>} : memref<80x128xf32, #tpu.memory_space<vmem>>, vector<1x16xf32>,
        %get3A_357 = vector.shape_cast %get3A_356 : vector<1x16xf32> to vector<16xf32>
        %mul3A_358 = arith.constant 11.3137083 : f32
        %mul3A_359 = vector.broadcast %mul3A_358 : f32 to vector<16xf32>
        %mul3A_360 = arith.mulf %get3A_357, %mul3A_359 : vector<16xf32>
        %swap3A_361 = arith.index_cast %add3A_307 : i32 to index
        %swap3A_362 = arith.constant 64 : index
        %swap3A_363 = tpu.vector_load %arg11[%swap3A_361, %swap3A_362] {strides = array<i32>} : memref<80x128xf32, #tpu.memory_space<vmem>>, vector<1x16xf32>,
        %swap3A_364 = vector.shape_cast %swap3A_363 : vector<1x16xf32> to vector<16xf32>
        %swap3A_365 = vector.shape_cast %mul3A_360 : vector<16xf32> to vector<1x16xf32>
        tpu.vector_store %arg11[%swap3A_361, %swap3A_362], %swap3A_365 {strides = array<i32>} : memref<80x128xf32, #tpu.memory_space<vmem>>, vector<1x16xf32>,
        %get3A_366 = arith.index_cast %add3A_307 : i32 to index
        %get3A_367 = arith.constant 80 : index
        %get3A_368 = tpu.vector_load %arg11[%get3A_366, %get3A_367] {strides = array<i32>} : memref<80x128xf32, #tpu.memory_space<vmem>>, vector<1x16xf32>,
        %get3A_369 = vector.shape_cast %get3A_368 : vector<1x16xf32> to vector<16xf32>
        %mul3A_370 = arith.constant 11.3137083 : f32
        %mul3A_371 = vector.broadcast %mul3A_370 : f32 to vector<16xf32>
        %mul3A_372 = arith.mulf %get3A_369, %mul3A_371 : vector<16xf32>
        %swap3A_373 = arith.index_cast %add3A_307 : i32 to index
        %swap3A_374 = arith.constant 80 : index
        %swap3A_375 = tpu.vector_load %arg11[%swap3A_373, %swap3A_374] {strides = array<i32>} : memref<80x128xf32, #tpu.memory_space<vmem>>, vector<1x16xf32>,
        %swap3A_376 = vector.shape_cast %swap3A_375 : vector<1x16xf32> to vector<16xf32>
        %swap3A_377 = vector.shape_cast %mul3A_372 : vector<16xf32> to vector<1x16xf32>
        tpu.vector_store %arg11[%swap3A_373, %swap3A_374], %swap3A_377 {strides = array<i32>} : memref<80x128xf32, #tpu.memory_space<vmem>>, vector<1x16xf32>,
        %get3A_378 = arith.index_cast %add3A_307 : i32 to index
        %get3A_379 = arith.constant 96 : index
        %get3A_380 = tpu.vector_load %arg11[%get3A_378, %get3A_379] {strides = array<i32>} : memref<80x128xf32, #tpu.memory_space<vmem>>, vector<1x16xf32>,
        %get3A_381 = vector.shape_cast %get3A_380 : vector<1x16xf32> to vector<16xf32>
        %mul3A_382 = arith.constant 11.3137083 : f32
        %mul3A_383 = vector.broadcast %mul3A_382 : f32 to vector<16xf32>
        %mul3A_384 = arith.mulf %get3A_381, %mul3A_383 : vector<16xf32>
        %swap3A_385 = arith.index_cast %add3A_307 : i32 to index
        %swap3A_386 = arith.constant 96 : index
        %swap3A_387 = tpu.vector_load %arg11[%swap3A_385, %swap3A_386] {strides = array<i32>} : memref<80x128xf32, #tpu.memory_space<vmem>>, vector<1x16xf32>,
        %swap3A_388 = vector.shape_cast %swap3A_387 : vector<1x16xf32> to vector<16xf32>
        %swap3A_389 = vector.shape_cast %mul3A_384 : vector<16xf32> to vector<1x16xf32>
        tpu.vector_store %arg11[%swap3A_385, %swap3A_386], %swap3A_389 {strides = array<i32>} : memref<80x128xf32, #tpu.memory_space<vmem>>, vector<1x16xf32>,
        %get3A_390 = arith.index_cast %add3A_307 : i32 to index
        %get3A_391 = arith.constant 112 : index
        %get3A_392 = tpu.vector_load %arg11[%get3A_390, %get3A_391] {strides = array<i32>} : memref<80x128xf32, #tpu.memory_space<vmem>>, vector<1x16xf32>,
        %get3A_393 = vector.shape_cast %get3A_392 : vector<1x16xf32> to vector<16xf32>
        %mul3A_394 = arith.constant 11.3137083 : f32
        %mul3A_395 = vector.broadcast %mul3A_394 : f32 to vector<16xf32>
        %mul3A_396 = arith.mulf %get3A_393, %mul3A_395 : vector<16xf32>
        %swap3A_397 = arith.index_cast %add3A_307 : i32 to index
        %swap3A_398 = arith.constant 112 : index
        %swap3A_399 = tpu.vector_load %arg11[%swap3A_397, %swap3A_398] {strides = array<i32>} : memref<80x128xf32, #tpu.memory_space<vmem>>, vector<1x16xf32>,
        %swap3A_400 = vector.shape_cast %swap3A_399 : vector<1x16xf32> to vector<16xf32>
        %swap3A_401 = vector.shape_cast %mul3A_396 : vector<16xf32> to vector<1x16xf32>
        tpu.vector_store %arg11[%swap3A_397, %swap3A_398], %swap3A_401 {strides = array<i32>} : memref<80x128xf32, #tpu.memory_space<vmem>>, vector<1x16xf32>,
      }
      %scan3A_228 = arith.constant 80 : i32
      %add3A_229 = arith.constant 5 : i32
      %add3A_230 = arith.addi %add3A_81, %add3A_229 : i32
      %mul3A_231 = arith.constant 80 : i32
      %mul3A_232 = arith.muli %add3A_230, %mul3A_231 : i32
      %add3A_233 = arith.addi %mul3A_2, %mul3A_232 : i32
      %dma_start3A_234 = arith.constant 0 : i32
      %dma_start3A_235 = tpu.memref_slice %arg4[%add3A_233, %dma_start3A_234] : memref<204800x128xf32, #tpu.memory_space<hbm>> -> memref<80x128xf32, #tpu.memory_space<hbm>>
      %dma_start3A_236 = arith.constant 0 : i32
      %dma_start3A_237 = tpu.memref_slice %arg4[%add3A_233, %dma_start3A_236] : memref<204800x128xf32, #tpu.memory_space<hbm>> -> memref<80x128xf32, #tpu.memory_space<hbm>>
      tpu.enqueue_dma source(%arg11 : memref<80x128xf32, #tpu.memory_space<vmem>>) target(%dma_start3A_237 : memref<80x128xf32, #tpu.memory_space<hbm>>) target_semaphore(%arg27 : memref<!tpu.dma_semaphore, #tpu.memory_space<semaphore_mem>>)
      %add3A_238 = arith.constant 5 : i32
      %add3A_239 = arith.addi %add3A_81, %add3A_238 : i32
      %add3A_240 = arith.constant 8 : i32
      %add3A_241 = arith.addi %add3A_239, %add3A_240 : i32
      %lt3A_242 = arith.constant 80 : i32
      %lt3A_243 = arith.cmpi slt, %add3A_241, %lt3A_242 : i32
      %convert_element_type3A_244 = arith.extui %lt3A_243 : i1 to i32
      %cond3A_245 = arith.constant 0 : i32
      %cond3A_246 = arith.cmpi ne, %convert_element_type3A_244, %cond3A_245 : i32
      scf.if %cond3A_246 {
        %dma_wait3A_303 = arith.constant 0 : i32
        %dma_wait3A_304 = tpu.memref_slice %arg4[%mul3A_2, %dma_wait3A_303] : memref<204800x128xf32, #tpu.memory_space<hbm>> -> memref<80x128xf32, #tpu.memory_space<hbm>>
        %dma_wait3A_305 = arith.constant 0 : i32
        %dma_wait3A_306 = tpu.memref_slice %arg4[%mul3A_2, %dma_wait3A_305] : memref<204800x128xf32, #tpu.memory_space<hbm>> -> memref<80x128xf32, #tpu.memory_space<hbm>>
        tpu.wait_dma2 semaphore(%arg27 : memref<!tpu.dma_semaphore, #tpu.memory_space<semaphore_mem>>) src(%arg11 : memref<80x128xf32, #tpu.memory_space<vmem>>) dst(%dma_wait3A_306 : memref<80x128xf32, #tpu.memory_space<hbm>>)
        %add3A_307 = arith.constant 5 : i32
        %add3A_308 = arith.addi %add3A_81, %add3A_307 : i32
        %add3A_309 = arith.constant 8 : i32
        %add3A_310 = arith.addi %add3A_308, %add3A_309 : i32
        %mul3A_311 = arith.constant 80 : i32
        %mul3A_312 = arith.muli %add3A_310, %mul3A_311 : i32
        %dma_start3A_313 = tpu.memref_slice %arg5[%mul3A_312] : memref<6400xi32, #tpu.memory_space<vmem>> -> memref<80xi32, #tpu.memory_space<vmem>>
        %dma_start3A_314 = arith.constant 0 : i32
        %dma_start3A_315 = arith.constant 0 : i32
        %dma_start3A_316 = tpu.memref_slice %arg2[%dma_start3A_314, %dma_start3A_315] : memref<100000x128xf32, #tpu.memory_space<hbm>> -> memref<100000x128xf32, #tpu.memory_space<hbm>>
        tpu.enqueue_indirect_dma source(%dma_start3A_316 : memref<100000x128xf32, #tpu.memory_space<hbm>>) target(%arg11 : memref<80x128xf32, #tpu.memory_space<vmem>>) offsets(%dma_start3A_313 : memref<80xi32, #tpu.memory_space<vmem>>) semaphore(%arg19 : memref<!tpu.dma_semaphore, #tpu.memory_space<semaphore_mem>>)
      } else {
      }
      %dma_wait3A_247 = arith.constant 0 : i32
      %dma_wait3A_248 = tpu.memref_slice %arg5[%dma_wait3A_247] : memref<6400xi32, #tpu.memory_space<vmem>> -> memref<80xi32, #tpu.memory_space<vmem>>
      %dma_wait3A_249 = arith.constant 0 : i32
      %dma_wait3A_250 = arith.constant 0 : i32
      %dma_wait3A_251 = tpu.memref_slice %arg2[%dma_wait3A_249, %dma_wait3A_250] : memref<100000x128xf32, #tpu.memory_space<hbm>> -> memref<100000x128xf32, #tpu.memory_space<hbm>>
      tpu.wait_indirect_dma semaphore(%arg20 : memref<!tpu.dma_semaphore, #tpu.memory_space<semaphore_mem>>) src(%dma_wait3A_251 : memref<100000x128xf32, #tpu.memory_space<hbm>>) dst(%arg12 : memref<80x128xf32, #tpu.memory_space<vmem>>)
      %scan3A_252 = arith.constant 0 : i32
      %scan3A_253 = arith.constant 80 : i32
      %scan3A_254 = arith.addi %scan3A_252, %scan3A_253 : i32
      %scan3A_255 = arith.constant 1 : i32
      scf.for %scan3A_303 = %scan3A_252 to %scan3A_254 step %scan3A_255  : i32 {
        %mul3A_304 = arith.constant 1 : i32
        %mul3A_305 = arith.muli %scan3A_303, %mul3A_304 : i32
        %add3A_306 = arith.constant 0 : i32
        %add3A_307 = arith.addi %add3A_306, %mul3A_305 : i32
        %get3A = arith.index_cast %add3A_307 : i32 to index
        %get3A_308 = arith.constant 0 : index
        %get3A_309 = tpu.vector_load %arg12[%get3A, %get3A_308] {strides = array<i32>} : memref<80x128xf32, #tpu.memory_space<vmem>>, vector<1x16xf32>,
        %get3A_310 = vector.shape_cast %get3A_309 : vector<1x16xf32> to vector<16xf32>
        %mul3A_311 = arith.constant 11.3137083 : f32
        %mul3A_312 = vector.broadcast %mul3A_311 : f32 to vector<16xf32>
        %mul3A_313 = arith.mulf %get3A_310, %mul3A_312 : vector<16xf32>
        %swap3A = arith.index_cast %add3A_307 : i32 to index
        %swap3A_314 = arith.constant 0 : index
        %swap3A_315 = tpu.vector_load %arg12[%swap3A, %swap3A_314] {strides = array<i32>} : memref<80x128xf32, #tpu.memory_space<vmem>>, vector<1x16xf32>,
        %swap3A_316 = vector.shape_cast %swap3A_315 : vector<1x16xf32> to vector<16xf32>
        %swap3A_317 = vector.shape_cast %mul3A_313 : vector<16xf32> to vector<1x16xf32>
        tpu.vector_store %arg12[%swap3A, %swap3A_314], %swap3A_317 {strides = array<i32>} : memref<80x128xf32, #tpu.memory_space<vmem>>, vector<1x16xf32>,
        %get3A_318 = arith.index_cast %add3A_307 : i32 to index
        %get3A_319 = arith.constant 16 : index
        %get3A_320 = tpu.vector_load %arg12[%get3A_318, %get3A_319] {strides = array<i32>} : memref<80x128xf32, #tpu.memory_space<vmem>>, vector<1x16xf32>,
        %get3A_321 = vector.shape_cast %get3A_320 : vector<1x16xf32> to vector<16xf32>
        %mul3A_322 = arith.constant 11.3137083 : f32
        %mul3A_323 = vector.broadcast %mul3A_322 : f32 to vector<16xf32>
        %mul3A_324 = arith.mulf %get3A_321, %mul3A_323 : vector<16xf32>
        %swap3A_325 = arith.index_cast %add3A_307 : i32 to index
        %swap3A_326 = arith.constant 16 : index
        %swap3A_327 = tpu.vector_load %arg12[%swap3A_325, %swap3A_326] {strides = array<i32>} : memref<80x128xf32, #tpu.memory_space<vmem>>, vector<1x16xf32>,
        %swap3A_328 = vector.shape_cast %swap3A_327 : vector<1x16xf32> to vector<16xf32>
        %swap3A_329 = vector.shape_cast %mul3A_324 : vector<16xf32> to vector<1x16xf32>
        tpu.vector_store %arg12[%swap3A_325, %swap3A_326], %swap3A_329 {strides = array<i32>} : memref<80x128xf32, #tpu.memory_space<vmem>>, vector<1x16xf32>,
        %get3A_330 = arith.index_cast %add3A_307 : i32 to index
        %get3A_331 = arith.constant 32 : index
        %get3A_332 = tpu.vector_load %arg12[%get3A_330, %get3A_331] {strides = array<i32>} : memref<80x128xf32, #tpu.memory_space<vmem>>, vector<1x16xf32>,
        %get3A_333 = vector.shape_cast %get3A_332 : vector<1x16xf32> to vector<16xf32>
        %mul3A_334 = arith.constant 11.3137083 : f32
        %mul3A_335 = vector.broadcast %mul3A_334 : f32 to vector<16xf32>
        %mul3A_336 = arith.mulf %get3A_333, %mul3A_335 : vector<16xf32>
        %swap3A_337 = arith.index_cast %add3A_307 : i32 to index
        %swap3A_338 = arith.constant 32 : index
        %swap3A_339 = tpu.vector_load %arg12[%swap3A_337, %swap3A_338] {strides = array<i32>} : memref<80x128xf32, #tpu.memory_space<vmem>>, vector<1x16xf32>,
        %swap3A_340 = vector.shape_cast %swap3A_339 : vector<1x16xf32> to vector<16xf32>
        %swap3A_341 = vector.shape_cast %mul3A_336 : vector<16xf32> to vector<1x16xf32>
        tpu.vector_store %arg12[%swap3A_337, %swap3A_338], %swap3A_341 {strides = array<i32>} : memref<80x128xf32, #tpu.memory_space<vmem>>, vector<1x16xf32>,
        %get3A_342 = arith.index_cast %add3A_307 : i32 to index
        %get3A_343 = arith.constant 48 : index
        %get3A_344 = tpu.vector_load %arg12[%get3A_342, %get3A_343] {strides = array<i32>} : memref<80x128xf32, #tpu.memory_space<vmem>>, vector<1x16xf32>,
        %get3A_345 = vector.shape_cast %get3A_344 : vector<1x16xf32> to vector<16xf32>
        %mul3A_346 = arith.constant 11.3137083 : f32
        %mul3A_347 = vector.broadcast %mul3A_346 : f32 to vector<16xf32>
        %mul3A_348 = arith.mulf %get3A_345, %mul3A_347 : vector<16xf32>
        %swap3A_349 = arith.index_cast %add3A_307 : i32 to index
        %swap3A_350 = arith.constant 48 : index
        %swap3A_351 = tpu.vector_load %arg12[%swap3A_349, %swap3A_350] {strides = array<i32>} : memref<80x128xf32, #tpu.memory_space<vmem>>, vector<1x16xf32>,
        %swap3A_352 = vector.shape_cast %swap3A_351 : vector<1x16xf32> to vector<16xf32>
        %swap3A_353 = vector.shape_cast %mul3A_348 : vector<16xf32> to vector<1x16xf32>
        tpu.vector_store %arg12[%swap3A_349, %swap3A_350], %swap3A_353 {strides = array<i32>} : memref<80x128xf32, #tpu.memory_space<vmem>>, vector<1x16xf32>,
        %get3A_354 = arith.index_cast %add3A_307 : i32 to index
        %get3A_355 = arith.constant 64 : index
        %get3A_356 = tpu.vector_load %arg12[%get3A_354, %get3A_355] {strides = array<i32>} : memref<80x128xf32, #tpu.memory_space<vmem>>, vector<1x16xf32>,
        %get3A_357 = vector.shape_cast %get3A_356 : vector<1x16xf32> to vector<16xf32>
        %mul3A_358 = arith.constant 11.3137083 : f32
        %mul3A_359 = vector.broadcast %mul3A_358 : f32 to vector<16xf32>
        %mul3A_360 = arith.mulf %get3A_357, %mul3A_359 : vector<16xf32>
        %swap3A_361 = arith.index_cast %add3A_307 : i32 to index
        %swap3A_362 = arith.constant 64 : index
        %swap3A_363 = tpu.vector_load %arg12[%swap3A_361, %swap3A_362] {strides = array<i32>} : memref<80x128xf32, #tpu.memory_space<vmem>>, vector<1x16xf32>,
        %swap3A_364 = vector.shape_cast %swap3A_363 : vector<1x16xf32> to vector<16xf32>
        %swap3A_365 = vector.shape_cast %mul3A_360 : vector<16xf32> to vector<1x16xf32>
        tpu.vector_store %arg12[%swap3A_361, %swap3A_362], %swap3A_365 {strides = array<i32>} : memref<80x128xf32, #tpu.memory_space<vmem>>, vector<1x16xf32>,
        %get3A_366 = arith.index_cast %add3A_307 : i32 to index
        %get3A_367 = arith.constant 80 : index
        %get3A_368 = tpu.vector_load %arg12[%get3A_366, %get3A_367] {strides = array<i32>} : memref<80x128xf32, #tpu.memory_space<vmem>>, vector<1x16xf32>,
        %get3A_369 = vector.shape_cast %get3A_368 : vector<1x16xf32> to vector<16xf32>
        %mul3A_370 = arith.constant 11.3137083 : f32
        %mul3A_371 = vector.broadcast %mul3A_370 : f32 to vector<16xf32>
        %mul3A_372 = arith.mulf %get3A_369, %mul3A_371 : vector<16xf32>
        %swap3A_373 = arith.index_cast %add3A_307 : i32 to index
        %swap3A_374 = arith.constant 80 : index
        %swap3A_375 = tpu.vector_load %arg12[%swap3A_373, %swap3A_374] {strides = array<i32>} : memref<80x128xf32, #tpu.memory_space<vmem>>, vector<1x16xf32>,
        %swap3A_376 = vector.shape_cast %swap3A_375 : vector<1x16xf32> to vector<16xf32>
        %swap3A_377 = vector.shape_cast %mul3A_372 : vector<16xf32> to vector<1x16xf32>
        tpu.vector_store %arg12[%swap3A_373, %swap3A_374], %swap3A_377 {strides = array<i32>} : memref<80x128xf32, #tpu.memory_space<vmem>>, vector<1x16xf32>,
        %get3A_378 = arith.index_cast %add3A_307 : i32 to index
        %get3A_379 = arith.constant 96 : index
        %get3A_380 = tpu.vector_load %arg12[%get3A_378, %get3A_379] {strides = array<i32>} : memref<80x128xf32, #tpu.memory_space<vmem>>, vector<1x16xf32>,
        %get3A_381 = vector.shape_cast %get3A_380 : vector<1x16xf32> to vector<16xf32>
        %mul3A_382 = arith.constant 11.3137083 : f32
        %mul3A_383 = vector.broadcast %mul3A_382 : f32 to vector<16xf32>
        %mul3A_384 = arith.mulf %get3A_381, %mul3A_383 : vector<16xf32>
        %swap3A_385 = arith.index_cast %add3A_307 : i32 to index
        %swap3A_386 = arith.constant 96 : index
        %swap3A_387 = tpu.vector_load %arg12[%swap3A_385, %swap3A_386] {strides = array<i32>} : memref<80x128xf32, #tpu.memory_space<vmem>>, vector<1x16xf32>,
        %swap3A_388 = vector.shape_cast %swap3A_387 : vector<1x16xf32> to vector<16xf32>
        %swap3A_389 = vector.shape_cast %mul3A_384 : vector<16xf32> to vector<1x16xf32>
        tpu.vector_store %arg12[%swap3A_385, %swap3A_386], %swap3A_389 {strides = array<i32>} : memref<80x128xf32, #tpu.memory_space<vmem>>, vector<1x16xf32>,
        %get3A_390 = arith.index_cast %add3A_307 : i32 to index
        %get3A_391 = arith.constant 112 : index
        %get3A_392 = tpu.vector_load %arg12[%get3A_390, %get3A_391] {strides = array<i32>} : memref<80x128xf32, #tpu.memory_space<vmem>>, vector<1x16xf32>,
        %get3A_393 = vector.shape_cast %get3A_392 : vector<1x16xf32> to vector<16xf32>
        %mul3A_394 = arith.constant 11.3137083 : f32
        %mul3A_395 = vector.broadcast %mul3A_394 : f32 to vector<16xf32>
        %mul3A_396 = arith.mulf %get3A_393, %mul3A_395 : vector<16xf32>
        %swap3A_397 = arith.index_cast %add3A_307 : i32 to index
        %swap3A_398 = arith.constant 112 : index
        %swap3A_399 = tpu.vector_load %arg12[%swap3A_397, %swap3A_398] {strides = array<i32>} : memref<80x128xf32, #tpu.memory_space<vmem>>, vector<1x16xf32>,
        %swap3A_400 = vector.shape_cast %swap3A_399 : vector<1x16xf32> to vector<16xf32>
        %swap3A_401 = vector.shape_cast %mul3A_396 : vector<16xf32> to vector<1x16xf32>
        tpu.vector_store %arg12[%swap3A_397, %swap3A_398], %swap3A_401 {strides = array<i32>} : memref<80x128xf32, #tpu.memory_space<vmem>>, vector<1x16xf32>,
      }
      %scan3A_256 = arith.constant 80 : i32
      %add3A_257 = arith.constant 6 : i32
      %add3A_258 = arith.addi %add3A_81, %add3A_257 : i32
      %mul3A_259 = arith.constant 80 : i32
      %mul3A_260 = arith.muli %add3A_258, %mul3A_259 : i32
      %add3A_261 = arith.addi %mul3A_2, %mul3A_260 : i32
      %dma_start3A_262 = arith.constant 0 : i32
      %dma_start3A_263 = tpu.memref_slice %arg4[%add3A_261, %dma_start3A_262] : memref<204800x128xf32, #tpu.memory_space<hbm>> -> memref<80x128xf32, #tpu.memory_space<hbm>>
      %dma_start3A_264 = arith.constant 0 : i32
      %dma_start3A_265 = tpu.memref_slice %arg4[%add3A_261, %dma_start3A_264] : memref<204800x128xf32, #tpu.memory_space<hbm>> -> memref<80x128xf32, #tpu.memory_space<hbm>>
      tpu.enqueue_dma source(%arg12 : memref<80x128xf32, #tpu.memory_space<vmem>>) target(%dma_start3A_265 : memref<80x128xf32, #tpu.memory_space<hbm>>) target_semaphore(%arg28 : memref<!tpu.dma_semaphore, #tpu.memory_space<semaphore_mem>>)
      %add3A_266 = arith.constant 6 : i32
      %add3A_267 = arith.addi %add3A_81, %add3A_266 : i32
      %add3A_268 = arith.constant 8 : i32
      %add3A_269 = arith.addi %add3A_267, %add3A_268 : i32
      %lt3A_270 = arith.constant 80 : i32
      %lt3A_271 = arith.cmpi slt, %add3A_269, %lt3A_270 : i32
      %convert_element_type3A_272 = arith.extui %lt3A_271 : i1 to i32
      %cond3A_273 = arith.constant 0 : i32
      %cond3A_274 = arith.cmpi ne, %convert_element_type3A_272, %cond3A_273 : i32
      scf.if %cond3A_274 {
        %dma_wait3A_303 = arith.constant 0 : i32
        %dma_wait3A_304 = tpu.memref_slice %arg4[%mul3A_2, %dma_wait3A_303] : memref<204800x128xf32, #tpu.memory_space<hbm>> -> memref<80x128xf32, #tpu.memory_space<hbm>>
        %dma_wait3A_305 = arith.constant 0 : i32
        %dma_wait3A_306 = tpu.memref_slice %arg4[%mul3A_2, %dma_wait3A_305] : memref<204800x128xf32, #tpu.memory_space<hbm>> -> memref<80x128xf32, #tpu.memory_space<hbm>>
        tpu.wait_dma2 semaphore(%arg28 : memref<!tpu.dma_semaphore, #tpu.memory_space<semaphore_mem>>) src(%arg12 : memref<80x128xf32, #tpu.memory_space<vmem>>) dst(%dma_wait3A_306 : memref<80x128xf32, #tpu.memory_space<hbm>>)
        %add3A_307 = arith.constant 6 : i32
        %add3A_308 = arith.addi %add3A_81, %add3A_307 : i32
        %add3A_309 = arith.constant 8 : i32
        %add3A_310 = arith.addi %add3A_308, %add3A_309 : i32
        %mul3A_311 = arith.constant 80 : i32
        %mul3A_312 = arith.muli %add3A_310, %mul3A_311 : i32
        %dma_start3A_313 = tpu.memref_slice %arg5[%mul3A_312] : memref<6400xi32, #tpu.memory_space<vmem>> -> memref<80xi32, #tpu.memory_space<vmem>>
        %dma_start3A_314 = arith.constant 0 : i32
        %dma_start3A_315 = arith.constant 0 : i32
        %dma_start3A_316 = tpu.memref_slice %arg2[%dma_start3A_314, %dma_start3A_315] : memref<100000x128xf32, #tpu.memory_space<hbm>> -> memref<100000x128xf32, #tpu.memory_space<hbm>>
        tpu.enqueue_indirect_dma source(%dma_start3A_316 : memref<100000x128xf32, #tpu.memory_space<hbm>>) target(%arg12 : memref<80x128xf32, #tpu.memory_space<vmem>>) offsets(%dma_start3A_313 : memref<80xi32, #tpu.memory_space<vmem>>) semaphore(%arg20 : memref<!tpu.dma_semaphore, #tpu.memory_space<semaphore_mem>>)
      } else {
      }
      %dma_wait3A_275 = arith.constant 0 : i32
      %dma_wait3A_276 = tpu.memref_slice %arg5[%dma_wait3A_275] : memref<6400xi32, #tpu.memory_space<vmem>> -> memref<80xi32, #tpu.memory_space<vmem>>
      %dma_wait3A_277 = arith.constant 0 : i32
      %dma_wait3A_278 = arith.constant 0 : i32
      %dma_wait3A_279 = tpu.memref_slice %arg2[%dma_wait3A_277, %dma_wait3A_278] : memref<100000x128xf32, #tpu.memory_space<hbm>> -> memref<100000x128xf32, #tpu.memory_space<hbm>>
      tpu.wait_indirect_dma semaphore(%arg21 : memref<!tpu.dma_semaphore, #tpu.memory_space<semaphore_mem>>) src(%dma_wait3A_279 : memref<100000x128xf32, #tpu.memory_space<hbm>>) dst(%arg13 : memref<80x128xf32, #tpu.memory_space<vmem>>)
      %scan3A_280 = arith.constant 0 : i32
      %scan3A_281 = arith.constant 80 : i32
      %scan3A_282 = arith.addi %scan3A_280, %scan3A_281 : i32
      %scan3A_283 = arith.constant 1 : i32
      scf.for %scan3A_303 = %scan3A_280 to %scan3A_282 step %scan3A_283  : i32 {
        %mul3A_304 = arith.constant 1 : i32
        %mul3A_305 = arith.muli %scan3A_303, %mul3A_304 : i32
        %add3A_306 = arith.constant 0 : i32
        %add3A_307 = arith.addi %add3A_306, %mul3A_305 : i32
        %get3A = arith.index_cast %add3A_307 : i32 to index
        %get3A_308 = arith.constant 0 : index
        %get3A_309 = tpu.vector_load %arg13[%get3A, %get3A_308] {strides = array<i32>} : memref<80x128xf32, #tpu.memory_space<vmem>>, vector<1x16xf32>,
        %get3A_310 = vector.shape_cast %get3A_309 : vector<1x16xf32> to vector<16xf32>
        %mul3A_311 = arith.constant 11.3137083 : f32
        %mul3A_312 = vector.broadcast %mul3A_311 : f32 to vector<16xf32>
        %mul3A_313 = arith.mulf %get3A_310, %mul3A_312 : vector<16xf32>
        %swap3A = arith.index_cast %add3A_307 : i32 to index
        %swap3A_314 = arith.constant 0 : index
        %swap3A_315 = tpu.vector_load %arg13[%swap3A, %swap3A_314] {strides = array<i32>} : memref<80x128xf32, #tpu.memory_space<vmem>>, vector<1x16xf32>,
        %swap3A_316 = vector.shape_cast %swap3A_315 : vector<1x16xf32> to vector<16xf32>
        %swap3A_317 = vector.shape_cast %mul3A_313 : vector<16xf32> to vector<1x16xf32>
        tpu.vector_store %arg13[%swap3A, %swap3A_314], %swap3A_317 {strides = array<i32>} : memref<80x128xf32, #tpu.memory_space<vmem>>, vector<1x16xf32>,
        %get3A_318 = arith.index_cast %add3A_307 : i32 to index
        %get3A_319 = arith.constant 16 : index
        %get3A_320 = tpu.vector_load %arg13[%get3A_318, %get3A_319] {strides = array<i32>} : memref<80x128xf32, #tpu.memory_space<vmem>>, vector<1x16xf32>,
        %get3A_321 = vector.shape_cast %get3A_320 : vector<1x16xf32> to vector<16xf32>
        %mul3A_322 = arith.constant 11.3137083 : f32
        %mul3A_323 = vector.broadcast %mul3A_322 : f32 to vector<16xf32>
        %mul3A_324 = arith.mulf %get3A_321, %mul3A_323 : vector<16xf32>
        %swap3A_325 = arith.index_cast %add3A_307 : i32 to index
        %swap3A_326 = arith.constant 16 : index
        %swap3A_327 = tpu.vector_load %arg13[%swap3A_325, %swap3A_326] {strides = array<i32>} : memref<80x128xf32, #tpu.memory_space<vmem>>, vector<1x16xf32>,
        %swap3A_328 = vector.shape_cast %swap3A_327 : vector<1x16xf32> to vector<16xf32>
        %swap3A_329 = vector.shape_cast %mul3A_324 : vector<16xf32> to vector<1x16xf32>
        tpu.vector_store %arg13[%swap3A_325, %swap3A_326], %swap3A_329 {strides = array<i32>} : memref<80x128xf32, #tpu.memory_space<vmem>>, vector<1x16xf32>,
        %get3A_330 = arith.index_cast %add3A_307 : i32 to index
        %get3A_331 = arith.constant 32 : index
        %get3A_332 = tpu.vector_load %arg13[%get3A_330, %get3A_331] {strides = array<i32>} : memref<80x128xf32, #tpu.memory_space<vmem>>, vector<1x16xf32>,
        %get3A_333 = vector.shape_cast %get3A_332 : vector<1x16xf32> to vector<16xf32>
        %mul3A_334 = arith.constant 11.3137083 : f32
        %mul3A_335 = vector.broadcast %mul3A_334 : f32 to vector<16xf32>
        %mul3A_336 = arith.mulf %get3A_333, %mul3A_335 : vector<16xf32>
        %swap3A_337 = arith.index_cast %add3A_307 : i32 to index
        %swap3A_338 = arith.constant 32 : index
        %swap3A_339 = tpu.vector_load %arg13[%swap3A_337, %swap3A_338] {strides = array<i32>} : memref<80x128xf32, #tpu.memory_space<vmem>>, vector<1x16xf32>,
        %swap3A_340 = vector.shape_cast %swap3A_339 : vector<1x16xf32> to vector<16xf32>
        %swap3A_341 = vector.shape_cast %mul3A_336 : vector<16xf32> to vector<1x16xf32>
        tpu.vector_store %arg13[%swap3A_337, %swap3A_338], %swap3A_341 {strides = array<i32>} : memref<80x128xf32, #tpu.memory_space<vmem>>, vector<1x16xf32>,
        %get3A_342 = arith.index_cast %add3A_307 : i32 to index
        %get3A_343 = arith.constant 48 : index
        %get3A_344 = tpu.vector_load %arg13[%get3A_342, %get3A_343] {strides = array<i32>} : memref<80x128xf32, #tpu.memory_space<vmem>>, vector<1x16xf32>,
        %get3A_345 = vector.shape_cast %get3A_344 : vector<1x16xf32> to vector<16xf32>
        %mul3A_346 = arith.constant 11.3137083 : f32
        %mul3A_347 = vector.broadcast %mul3A_346 : f32 to vector<16xf32>
        %mul3A_348 = arith.mulf %get3A_345, %mul3A_347 : vector<16xf32>
        %swap3A_349 = arith.index_cast %add3A_307 : i32 to index
        %swap3A_350 = arith.constant 48 : index
        %swap3A_351 = tpu.vector_load %arg13[%swap3A_349, %swap3A_350] {strides = array<i32>} : memref<80x128xf32, #tpu.memory_space<vmem>>, vector<1x16xf32>,
        %swap3A_352 = vector.shape_cast %swap3A_351 : vector<1x16xf32> to vector<16xf32>
        %swap3A_353 = vector.shape_cast %mul3A_348 : vector<16xf32> to vector<1x16xf32>
        tpu.vector_store %arg13[%swap3A_349, %swap3A_350], %swap3A_353 {strides = array<i32>} : memref<80x128xf32, #tpu.memory_space<vmem>>, vector<1x16xf32>,
        %get3A_354 = arith.index_cast %add3A_307 : i32 to index
        %get3A_355 = arith.constant 64 : index
        %get3A_356 = tpu.vector_load %arg13[%get3A_354, %get3A_355] {strides = array<i32>} : memref<80x128xf32, #tpu.memory_space<vmem>>, vector<1x16xf32>,
        %get3A_357 = vector.shape_cast %get3A_356 : vector<1x16xf32> to vector<16xf32>
        %mul3A_358 = arith.constant 11.3137083 : f32
        %mul3A_359 = vector.broadcast %mul3A_358 : f32 to vector<16xf32>
        %mul3A_360 = arith.mulf %get3A_357, %mul3A_359 : vector<16xf32>
        %swap3A_361 = arith.index_cast %add3A_307 : i32 to index
        %swap3A_362 = arith.constant 64 : index
        %swap3A_363 = tpu.vector_load %arg13[%swap3A_361, %swap3A_362] {strides = array<i32>} : memref<80x128xf32, #tpu.memory_space<vmem>>, vector<1x16xf32>,
        %swap3A_364 = vector.shape_cast %swap3A_363 : vector<1x16xf32> to vector<16xf32>
        %swap3A_365 = vector.shape_cast %mul3A_360 : vector<16xf32> to vector<1x16xf32>
        tpu.vector_store %arg13[%swap3A_361, %swap3A_362], %swap3A_365 {strides = array<i32>} : memref<80x128xf32, #tpu.memory_space<vmem>>, vector<1x16xf32>,
        %get3A_366 = arith.index_cast %add3A_307 : i32 to index
        %get3A_367 = arith.constant 80 : index
        %get3A_368 = tpu.vector_load %arg13[%get3A_366, %get3A_367] {strides = array<i32>} : memref<80x128xf32, #tpu.memory_space<vmem>>, vector<1x16xf32>,
        %get3A_369 = vector.shape_cast %get3A_368 : vector<1x16xf32> to vector<16xf32>
        %mul3A_370 = arith.constant 11.3137083 : f32
        %mul3A_371 = vector.broadcast %mul3A_370 : f32 to vector<16xf32>
        %mul3A_372 = arith.mulf %get3A_369, %mul3A_371 : vector<16xf32>
        %swap3A_373 = arith.index_cast %add3A_307 : i32 to index
        %swap3A_374 = arith.constant 80 : index
        %swap3A_375 = tpu.vector_load %arg13[%swap3A_373, %swap3A_374] {strides = array<i32>} : memref<80x128xf32, #tpu.memory_space<vmem>>, vector<1x16xf32>,
        %swap3A_376 = vector.shape_cast %swap3A_375 : vector<1x16xf32> to vector<16xf32>
        %swap3A_377 = vector.shape_cast %mul3A_372 : vector<16xf32> to vector<1x16xf32>
        tpu.vector_store %arg13[%swap3A_373, %swap3A_374], %swap3A_377 {strides = array<i32>} : memref<80x128xf32, #tpu.memory_space<vmem>>, vector<1x16xf32>,
        %get3A_378 = arith.index_cast %add3A_307 : i32 to index
        %get3A_379 = arith.constant 96 : index
        %get3A_380 = tpu.vector_load %arg13[%get3A_378, %get3A_379] {strides = array<i32>} : memref<80x128xf32, #tpu.memory_space<vmem>>, vector<1x16xf32>,
        %get3A_381 = vector.shape_cast %get3A_380 : vector<1x16xf32> to vector<16xf32>
        %mul3A_382 = arith.constant 11.3137083 : f32
        %mul3A_383 = vector.broadcast %mul3A_382 : f32 to vector<16xf32>
        %mul3A_384 = arith.mulf %get3A_381, %mul3A_383 : vector<16xf32>
        %swap3A_385 = arith.index_cast %add3A_307 : i32 to index
        %swap3A_386 = arith.constant 96 : index
        %swap3A_387 = tpu.vector_load %arg13[%swap3A_385, %swap3A_386] {strides = array<i32>} : memref<80x128xf32, #tpu.memory_space<vmem>>, vector<1x16xf32>,
        %swap3A_388 = vector.shape_cast %swap3A_387 : vector<1x16xf32> to vector<16xf32>
        %swap3A_389 = vector.shape_cast %mul3A_384 : vector<16xf32> to vector<1x16xf32>
        tpu.vector_store %arg13[%swap3A_385, %swap3A_386], %swap3A_389 {strides = array<i32>} : memref<80x128xf32, #tpu.memory_space<vmem>>, vector<1x16xf32>,
        %get3A_390 = arith.index_cast %add3A_307 : i32 to index
        %get3A_391 = arith.constant 112 : index
        %get3A_392 = tpu.vector_load %arg13[%get3A_390, %get3A_391] {strides = array<i32>} : memref<80x128xf32, #tpu.memory_space<vmem>>, vector<1x16xf32>,
        %get3A_393 = vector.shape_cast %get3A_392 : vector<1x16xf32> to vector<16xf32>
        %mul3A_394 = arith.constant 11.3137083 : f32
        %mul3A_395 = vector.broadcast %mul3A_394 : f32 to vector<16xf32>
        %mul3A_396 = arith.mulf %get3A_393, %mul3A_395 : vector<16xf32>
        %swap3A_397 = arith.index_cast %add3A_307 : i32 to index
        %swap3A_398 = arith.constant 112 : index
        %swap3A_399 = tpu.vector_load %arg13[%swap3A_397, %swap3A_398] {strides = array<i32>} : memref<80x128xf32, #tpu.memory_space<vmem>>, vector<1x16xf32>,
        %swap3A_400 = vector.shape_cast %swap3A_399 : vector<1x16xf32> to vector<16xf32>
        %swap3A_401 = vector.shape_cast %mul3A_396 : vector<16xf32> to vector<1x16xf32>
        tpu.vector_store %arg13[%swap3A_397, %swap3A_398], %swap3A_401 {strides = array<i32>} : memref<80x128xf32, #tpu.memory_space<vmem>>, vector<1x16xf32>,
      }
      %scan3A_284 = arith.constant 80 : i32
      %add3A_285 = arith.constant 7 : i32
      %add3A_286 = arith.addi %add3A_81, %add3A_285 : i32
      %mul3A_287 = arith.constant 80 : i32
      %mul3A_288 = arith.muli %add3A_286, %mul3A_287 : i32
      %add3A_289 = arith.addi %mul3A_2, %mul3A_288 : i32
      %dma_start3A_290 = arith.constant 0 : i32
      %dma_start3A_291 = tpu.memref_slice %arg4[%add3A_289, %dma_start3A_290] : memref<204800x128xf32, #tpu.memory_space<hbm>> -> memref<80x128xf32, #tpu.memory_space<hbm>>
      %dma_start3A_292 = arith.constant 0 : i32
      %dma_start3A_293 = tpu.memref_slice %arg4[%add3A_289, %dma_start3A_292] : memref<204800x128xf32, #tpu.memory_space<hbm>> -> memref<80x128xf32, #tpu.memory_space<hbm>>
      tpu.enqueue_dma source(%arg13 : memref<80x128xf32, #tpu.memory_space<vmem>>) target(%dma_start3A_293 : memref<80x128xf32, #tpu.memory_space<hbm>>) target_semaphore(%arg29 : memref<!tpu.dma_semaphore, #tpu.memory_space<semaphore_mem>>)
      %add3A_294 = arith.constant 7 : i32
      %add3A_295 = arith.addi %add3A_81, %add3A_294 : i32
      %add3A_296 = arith.constant 8 : i32
      %add3A_297 = arith.addi %add3A_295, %add3A_296 : i32
      %lt3A_298 = arith.constant 80 : i32
      %lt3A_299 = arith.cmpi slt, %add3A_297, %lt3A_298 : i32
      %convert_element_type3A_300 = arith.extui %lt3A_299 : i1 to i32
      %cond3A_301 = arith.constant 0 : i32
      %cond3A_302 = arith.cmpi ne, %convert_element_type3A_300, %cond3A_301 : i32
      scf.if %cond3A_302 {
        %dma_wait3A_303 = arith.constant 0 : i32
        %dma_wait3A_304 = tpu.memref_slice %arg4[%mul3A_2, %dma_wait3A_303] : memref<204800x128xf32, #tpu.memory_space<hbm>> -> memref<80x128xf32, #tpu.memory_space<hbm>>
        %dma_wait3A_305 = arith.constant 0 : i32
        %dma_wait3A_306 = tpu.memref_slice %arg4[%mul3A_2, %dma_wait3A_305] : memref<204800x128xf32, #tpu.memory_space<hbm>> -> memref<80x128xf32, #tpu.memory_space<hbm>>
        tpu.wait_dma2 semaphore(%arg29 : memref<!tpu.dma_semaphore, #tpu.memory_space<semaphore_mem>>) src(%arg13 : memref<80x128xf32, #tpu.memory_space<vmem>>) dst(%dma_wait3A_306 : memref<80x128xf32, #tpu.memory_space<hbm>>)
        %add3A_307 = arith.constant 7 : i32
        %add3A_308 = arith.addi %add3A_81, %add3A_307 : i32
        %add3A_309 = arith.constant 8 : i32
        %add3A_310 = arith.addi %add3A_308, %add3A_309 : i32
        %mul3A_311 = arith.constant 80 : i32
        %mul3A_312 = arith.muli %add3A_310, %mul3A_311 : i32
        %dma_start3A_313 = tpu.memref_slice %arg5[%mul3A_312] : memref<6400xi32, #tpu.memory_space<vmem>> -> memref<80xi32, #tpu.memory_space<vmem>>
        %dma_start3A_314 = arith.constant 0 : i32
        %dma_start3A_315 = arith.constant 0 : i32
        %dma_start3A_316 = tpu.memref_slice %arg2[%dma_start3A_314, %dma_start3A_315] : memref<100000x128xf32, #tpu.memory_space<hbm>> -> memref<100000x128xf32, #tpu.memory_space<hbm>>
        tpu.enqueue_indirect_dma source(%dma_start3A_316 : memref<100000x128xf32, #tpu.memory_space<hbm>>) target(%arg13 : memref<80x128xf32, #tpu.memory_space<vmem>>) offsets(%dma_start3A_313 : memref<80xi32, #tpu.memory_space<vmem>>) semaphore(%arg21 : memref<!tpu.dma_semaphore, #tpu.memory_space<semaphore_mem>>)
      } else {
      }
    }
    %scan3A_45 = arith.constant 10 : i32
    %dma_wait3A = arith.constant 0 : i32
    %dma_wait3A_46 = tpu.memref_slice %arg4[%mul3A_2, %dma_wait3A] : memref<204800x128xf32, #tpu.memory_space<hbm>> -> memref<80x128xf32, #tpu.memory_space<hbm>>
    %dma_wait3A_47 = arith.constant 0 : i32
    %dma_wait3A_48 = tpu.memref_slice %arg4[%mul3A_2, %dma_wait3A_47] : memref<204800x128xf32, #tpu.memory_space<hbm>> -> memref<80x128xf32, #tpu.memory_space<hbm>>
    tpu.wait_dma2 semaphore(%arg22 : memref<!tpu.dma_semaphore, #tpu.memory_space<semaphore_mem>>) src(%arg6 : memref<80x128xf32, #tpu.memory_space<vmem>>) dst(%dma_wait3A_48 : memref<80x128xf32, #tpu.memory_space<hbm>>)
    %dma_wait3A_49 = arith.constant 0 : i32
    %dma_wait3A_50 = tpu.memref_slice %arg4[%mul3A_2, %dma_wait3A_49] : memref<204800x128xf32, #tpu.memory_space<hbm>> -> memref<80x128xf32, #tpu.memory_space<hbm>>
    %dma_wait3A_51 = arith.constant 0 : i32
    %dma_wait3A_52 = tpu.memref_slice %arg4[%mul3A_2, %dma_wait3A_51] : memref<204800x128xf32, #tpu.memory_space<hbm>> -> memref<80x128xf32, #tpu.memory_space<hbm>>
    tpu.wait_dma2 semaphore(%arg23 : memref<!tpu.dma_semaphore, #tpu.memory_space<semaphore_mem>>) src(%arg7 : memref<80x128xf32, #tpu.memory_space<vmem>>) dst(%dma_wait3A_52 : memref<80x128xf32, #tpu.memory_space<hbm>>)
    %dma_wait3A_53 = arith.constant 0 : i32
    %dma_wait3A_54 = tpu.memref_slice %arg4[%mul3A_2, %dma_wait3A_53] : memref<204800x128xf32, #tpu.memory_space<hbm>> -> memref<80x128xf32, #tpu.memory_space<hbm>>
    %dma_wait3A_55 = arith.constant 0 : i32
    %dma_wait3A_56 = tpu.memref_slice %arg4[%mul3A_2, %dma_wait3A_55] : memref<204800x128xf32, #tpu.memory_space<hbm>> -> memref<80x128xf32, #tpu.memory_space<hbm>>
    tpu.wait_dma2 semaphore(%arg24 : memref<!tpu.dma_semaphore, #tpu.memory_space<semaphore_mem>>) src(%arg8 : memref<80x128xf32, #tpu.memory_space<vmem>>) dst(%dma_wait3A_56 : memref<80x128xf32, #tpu.memory_space<hbm>>)
    %dma_wait3A_57 = arith.constant 0 : i32
    %dma_wait3A_58 = tpu.memref_slice %arg4[%mul3A_2, %dma_wait3A_57] : memref<204800x128xf32, #tpu.memory_space<hbm>> -> memref<80x128xf32, #tpu.memory_space<hbm>>
    %dma_wait3A_59 = arith.constant 0 : i32
    %dma_wait3A_60 = tpu.memref_slice %arg4[%mul3A_2, %dma_wait3A_59] : memref<204800x128xf32, #tpu.memory_space<hbm>> -> memref<80x128xf32, #tpu.memory_space<hbm>>
    tpu.wait_dma2 semaphore(%arg25 : memref<!tpu.dma_semaphore, #tpu.memory_space<semaphore_mem>>) src(%arg9 : memref<80x128xf32, #tpu.memory_space<vmem>>) dst(%dma_wait3A_60 : memref<80x128xf32, #tpu.memory_space<hbm>>)
    %dma_wait3A_61 = arith.constant 0 : i32
    %dma_wait3A_62 = tpu.memref_slice %arg4[%mul3A_2, %dma_wait3A_61] : memref<204800x128xf32, #tpu.memory_space<hbm>> -> memref<80x128xf32, #tpu.memory_space<hbm>>
    %dma_wait3A_63 = arith.constant 0 : i32
    %dma_wait3A_64 = tpu.memref_slice %arg4[%mul3A_2, %dma_wait3A_63] : memref<204800x128xf32, #tpu.memory_space<hbm>> -> memref<80x128xf32, #tpu.memory_space<hbm>>
    tpu.wait_dma2 semaphore(%arg26 : memref<!tpu.dma_semaphore, #tpu.memory_space<semaphore_mem>>) src(%arg10 : memref<80x128xf32, #tpu.memory_space<vmem>>) dst(%dma_wait3A_64 : memref<80x128xf32, #tpu.memory_space<hbm>>)
    %dma_wait3A_65 = arith.constant 0 : i32
    %dma_wait3A_66 = tpu.memref_slice %arg4[%mul3A_2, %dma_wait3A_65] : memref<204800x128xf32, #tpu.memory_space<hbm>> -> memref<80x128xf32, #tpu.memory_space<hbm>>
    %dma_wait3A_67 = arith.constant 0 : i32
    %dma_wait3A_68 = tpu.memref_slice %arg4[%mul3A_2, %dma_wait3A_67] : memref<204800x128xf32, #tpu.memory_space<hbm>> -> memref<80x128xf32, #tpu.memory_space<hbm>>
    tpu.wait_dma2 semaphore(%arg27 : memref<!tpu.dma_semaphore, #tpu.memory_space<semaphore_mem>>) src(%arg11 : memref<80x128xf32, #tpu.memory_space<vmem>>) dst(%dma_wait3A_68 : memref<80x128xf32, #tpu.memory_space<hbm>>)
    %dma_wait3A_69 = arith.constant 0 : i32
    %dma_wait3A_70 = tpu.memref_slice %arg4[%mul3A_2, %dma_wait3A_69] : memref<204800x128xf32, #tpu.memory_space<hbm>> -> memref<80x128xf32, #tpu.memory_space<hbm>>
    %dma_wait3A_71 = arith.constant 0 : i32
    %dma_wait3A_72 = tpu.memref_slice %arg4[%mul3A_2, %dma_wait3A_71] : memref<204800x128xf32, #tpu.memory_space<hbm>> -> memref<80x128xf32, #tpu.memory_space<hbm>>
    tpu.wait_dma2 semaphore(%arg28 : memref<!tpu.dma_semaphore, #tpu.memory_space<semaphore_mem>>) src(%arg12 : memref<80x128xf32, #tpu.memory_space<vmem>>) dst(%dma_wait3A_72 : memref<80x128xf32, #tpu.memory_space<hbm>>)
    %dma_wait3A_73 = arith.constant 0 : i32
    %dma_wait3A_74 = tpu.memref_slice %arg4[%mul3A_2, %dma_wait3A_73] : memref<204800x128xf32, #tpu.memory_space<hbm>> -> memref<80x128xf32, #tpu.memory_space<hbm>>
    %dma_wait3A_75 = arith.constant 0 : i32
    %dma_wait3A_76 = tpu.memref_slice %arg4[%mul3A_2, %dma_wait3A_75] : memref<204800x128xf32, #tpu.memory_space<hbm>> -> memref<80x128xf32, #tpu.memory_space<hbm>>
    tpu.wait_dma2 semaphore(%arg29 : memref<!tpu.dma_semaphore, #tpu.memory_space<semaphore_mem>>) src(%arg13 : memref<80x128xf32, #tpu.memory_space<vmem>>) dst(%dma_wait3A_76 : memref<80x128xf32, #tpu.memory_space<hbm>>)
    return
  }
}

</mosaic_0001>

<sc_bundles>
// kernel: kernel.3.cloned.1.call-start
scs
__scs_entry_jumppad:
0x0: {  	(pc) =	sbr.rel $0x88, $3  }
0x1: {  	(tag) =	ssettag $0x0;
	lr =	simm.s32 $0x1  }
0x2: {  	[smem:$0x3F9F] =	sst lr;
	_ =	strace $0xD0000000  }
0x3: {  	_ = 	snop  }
0x4: {  	_ = 	snop  }
0x5: {  	_ = 	snop  }
0x6: {  	_ = 	snop  }
0x7: {  	_ = 	snop  }
__scs_overlays_trampoline_lowered:
0x8: {  	[smem:$0x3FAE] =	sst s0  }
0x9: {  	[smem:$0x3FAF] =	sst s1  }
0xa: {  	[smem:$0x3FB0] =	sst s2  }
0xb: {  	[smem:$0x3FB1] =	sst s3  }
0xc: {  	[smem:$0x3FB2] =	sst s4  }
0xd: {  	[smem:$0x3FB3] =	sst s5  }
0xe: {  	[smem:$0x3FB4] =	sst s6  }
0xf: {  	[smem:$0x3FB5] =	sst s7  }
0x10: {  	[smem:$0x3FB6] =	sst s8  }
0x11: {  	[smem:$0x3FB7] =	sst s9;
	s0 =	simm.s32 @!p0 $0x0  }
0x12: {  	s1 =	sld [smem:$0x3F9D];
	s0 =	simm.s32 @p0 $0x1  }
0x13: {  	[smem:$0x3FB8] =	sst s0;
	s0 =	simm.s32 @!p1 $0x0  }
0x14: {  	s2 =	sld [smem:$0x3F9C];
	s0 =	simm.s32 @p1 $0x1  }
0x15: {  	[smem:$0x3FB9] =	sst s0;
	s0 =	simm.s32 @!p2 $0x0  }
0x16: {  	s3 =	sld [smem:$0x3FDB];
	s0 =	simm.s32 @p2 $0x1  }
0x17: {  	s4 =	simm.s32 $0x1BF5;
	[smem:$0x3FBB] =	sst s0  }
0x18: {  	s0 =	sld [smem:$0x3F9E];
	_ =	swait.ge [sflag:s4], $0x0  }
0x19: {  	s7 =	sld [smem:$0x3F9F]  }
0x1a: {  	s8 =	sadd.s32 $0xFFFFE003, lr  }
0x1b: {  	s9 =	sadd.s32 $0xFFFFFEF7, lr;
	s5 =	simm.s32 $0xFFFFFFFF;
	p2 =	slt.u32 s8, $0xFFFFF086  }
0x1c: {  	p1 =	slt.u32 s9, $0xF7A;
	s5 =	simm.s32 @!p2 $0x0  }
0x1d: {  	s5 =	simm.s32 @p1 $0x1;
	p0 =	seq.s32 s7, s2  }
0x1e: {  	s7 =	smul.u32 @!p0 $0xF7A, s2;
	p2 =	seq.s32 @!p0 s5, $0x0  }
0x1f: {  	s9 =	smul.u32 $0xF7A, s1;
	s8 =	simm.s32 @!p0 $0x1BF5;
	p2 =	por !p2, p0  }
0x20: {  	[sflag:s8] =	ssyncset.s32 @!p0 $0xFFFFF086;
	s6 =	sadd.s32 @!p0 s3, s7;
	s7 =	simm.s32 @!p0 $0x108  }
0x21: {  	s3 =	sadd.s32 s3, s9;
	s6 =	sadd.s32 @!p0 $0x88, s6;
	s7 =	simm.s32 @p2 $0x1082  }
0x22: {  	[simem:s7], [sflag:s8] =	dma.local @!p0 [hbm:s6], $0xF7A  }
0x23: {  	s9 =	sor.u32 $0xD0000000, s2;
	s6 =	simm.s32 $0x108;
	_ =	swait.ge @!p0 [sflag:s8], $0x0  }
0x24: {  	s3 =	sadd.s32 $0x88, s3;
	s6 =	simm.s32 @!p1 $0x1082;
	[sflag:s4] =	ssyncset.s32 $0xFFFFF086  }
0x25: {  	[simem:s6], [sflag:s4] =	dma.local [hbm:s3], $0xF7A  }
0x26: {  	[smem:$0x3F9F] =	sst s1;
	(tag) =	ssettag s2;
	_ =	strace s9  }
0x27: {  	s1 =	sld [smem:$0x3FAF]  }
0x28: {  	s2 =	sld [smem:$0x3FB0]  }
0x29: {  	s4 =	sld [smem:$0x3FB2]  }
0x2a: {  	p0 =	seq.s32 s5, $0x0;
	s5 =	sld [smem:$0x3FB3]  }
0x2b: {  	s6 =	sld [smem:$0x3FB4]  }
0x2c: {  	s7 =	sld [smem:$0x3FB5]  }
0x2d: {  	s3 =	simm.s32 $0x108;
	s8 =	sld [smem:$0x3FB6]  }
0x2e: {  	s3 =	simm.s32 @!p0 $0x1082;
	s9 =	sld [smem:$0x3FB7]  }
0x2f: {  	lr =	sadd.s32 s0, s3;
	s0 =	sld [smem:$0x3FAE]  }
0x30: {  	s3 =	sld [smem:$0x3FB1]  }
0x31: {  	[smem:$0x3FBA] =	sst s10  }
0x32: {  	s10 =	sld [smem:$0x3FB8];
	_ =	sdelay $0x3  }
0x33: {  	p0 =	seq.s32 s10, $0x1;
	s10 =	sld [smem:$0x3FBA];
	_ =	sdelay $0x3  }
0x34: {  	[smem:$0x3FBA] =	sst s10  }
0x35: {  	s10 =	sld [smem:$0x3FB9];
	_ =	sdelay $0x3  }
0x36: {  	p1 =	seq.s32 s10, $0x1;
	s10 =	sld [smem:$0x3FBA];
	_ =	sdelay $0x3  }
0x37: {  	[smem:$0x3FBA] =	sst s10  }
0x38: {  	s10 =	sld [smem:$0x3FBB]  }
0x39: {  	_ = 	snop;
	(pc) =	sbr.ind lr, $3  }
0x3a: {  	_ = 	snop  }
0x3b: {  	_ = 	snop  }
0x3c: {  	p2 =	seq.s32 s10, $0x1;
	s10 =	sld [smem:$0x3FBA]  }
0x3d: {  	_ =	shalt  }
0x3e: {  	_ =	shalt  }
0x3f: {  	_ =	shalt  }
0x40: {  	_ =	shalt  }
0x41: {  	_ =	shalt  }
0x42: {  	_ =	shalt  }
0x43: {  	_ =	shalt  }
0x44: {  	_ =	shalt  }
0x45: {  	_ =	shalt  }
0x46: {  	_ =	shalt  }
0x47: {  	_ =	shalt  }
0x48: {  	_ =	shalt  }
0x49: {  	_ =	shalt  }
0x4a: {  	_ =	shalt  }
0x4b: {  	_ =	shalt  }
0x4c: {  	_ =	shalt  }
0x4d: {  	_ =	shalt  }
0x4e: {  	_ =	shalt  }
0x4f: {  	_ =	shalt  }
0x50: {  	_ =	shalt  }
0x51: {  	_ =	shalt  }
0x52: {  	_ =	shalt  }
0x53: {  	_ =	shalt  }
0x54: {  	_ =	shalt  }
0x55: {  	_ =	shalt  }
0x56: {  	_ =	shalt  }
0x57: {  	_ =	shalt  }
0x58: {  	_ =	shalt  }
0x59: {  	_ =	shalt  }
0x5a: {  	_ =	shalt  }
0x5b: {  	_ =	shalt  }
0x5c: {  	_ =	shalt  }
0x5d: {  	_ =	shalt  }
0x5e: {  	_ =	shalt  }
0x5f: {  	_ =	shalt  }
0x60: {  	_ =	shalt  }
0x61: {  	_ =	shalt  }
0x62: {  	_ =	shalt  }
0x63: {  	_ =	shalt  }
0x64: {  	_ =	shalt  }
0x65: {  	_ =	shalt  }
0x66: {  	_ =	shalt  }
0x67: {  	_ =	shalt  }
0x68: {  	_ =	shalt  }
0x69: {  	_ =	shalt  }
0x6a: {  	_ =	shalt  }
0x6b: {  	_ =	shalt  }
0x6c: {  	_ =	shalt  }
0x6d: {  	_ =	shalt  }
0x6e: {  	_ =	shalt  }
0x6f: {  	_ =	shalt  }
0x70: {  	_ =	shalt  }
0x71: {  	_ =	shalt  }
0x72: {  	_ =	shalt  }
0x73: {  	_ =	shalt  }
0x74: {  	_ =	shalt  }
0x75: {  	_ =	shalt  }
0x76: {  	_ =	shalt  }
0x77: {  	_ =	shalt  }
0x78: {  	_ =	shalt  }
0x79: {  	_ =	shalt  }
0x7a: {  	_ =	shalt  }
0x7b: {  	_ =	shalt  }
0x7c: {  	_ =	shalt  }
0x7d: {  	_ =	shalt  }
0x7e: {  	_ =	shalt  }
0x7f: {  	_ =	shalt  }
0x80: {  	_ =	shalt  }
0x81: {  	_ =	shalt  }
0x82: {  	_ =	shalt  }
0x83: {  	_ =	shalt  }
0x84: {  	_ =	shalt  }
0x85: {  	_ =	shalt  }
0x86: {  	_ =	shalt  }
0x87: {  	_ =	shalt  }
.Lfunc_end0:
.L_simem_size_0:
called_computation_lowered:
.L_overlay_start_0:
0x88: {  	s2 =	sld [smem:$0x3FD9]  }
0x89: {  	s3 =	sld [smem:$0x3FFE];
	_ =	sdelay $0x1  }
0x8a: {  	s1 =	srdreg.scid  }
0x8b: {  	s0 =	sand.u32 $0x1, s1  }
0x8c: {  	s17 =	sshll.u32 s0, $0xA;
	s2 =	sadd.s32 s3, s2  }
0x8d: {  	s2 =	sadd.s32 s2, s17  }
0x8e: {  	[smem:$0x3FC6] =	sst s2  }
0x8f: {  	_ = 	snop  }
0x90: {  	s2 =	sld [smem:$0x3FC8]  }
0x91: {  	s18 =	sld [smem:$0x3FD0];
	(tm) =	ssettm $0x1  }
0x92: {  	s4 =	sld [smem:$0x3FFB];
	_ =	sdelay $0x3  }
0x93: {  	_ =	strace s4  }
0x94: {  	s4 =	sld [smem:$0x3FFC];
	_ =	sdelay $0x3  }
0x95: {  	_ =	strace s4  }
0x96: {  	s4 =	sld [smem:$0x3FFD];
	_ =	sdelay $0x3  }
0x97: {  	_ =	strace s4  }
0x98: {  	_ =	strace $0x8FFFFFFF  }
0x99: {  	s19 =	sld [smem:$0x3FDB];
	_ =	sdelay $0x1  }
0x9a: {  	s5 =	simm.s32 $_scs_section_size  }
0x9b: {  	s6 =	simm.s32 $_size__tile_overlayer_lowered;
	s7 =	simm.s32 $_tile_overlayer_lowered  }
0x9c: {  	s22 =	simm.s32 $0x1BFF;
	s21 =	sshll.u32 s7, $0x1;
	s4 =	sadd.s32 s5, s19  }
0x9d: {  	s8 =	simm.s32 $0x0;
	s20 =	sshll.u32 s6, $0x1;
	s6 =	sadd.s32 s21, s4  }
0x9e: {  	[timem:s8], [sflag:s22] =	dma.local [hbm:s6], s20  }
0x9f: {  	_ =	swait.ge [sflag:s22], s20  }
0xa0: {  	s5 =	ssub.s32 $0x0, s20;
	[sflag:s22] =	ssyncset.done $0x0  }
0xa1: {  	[sflag:s22] =	ssyncadd.s32 s5;
	_ =	sdelay $0x1  }
0xa2: {  	s23 =	simm.s32 $0x1B8B  }
0xa3: {  	_ =	swait.ge [sflag:s23], $0x1  }
0xa4: {  	[sflag:s23] =	ssyncset.done $0x0  }
0xa5: {  	s25 =	simm.s32 $0x1B8E;
	s24 =	sld [smem:$0x3FFE];
	[sflag:s23] =	ssyncadd.s32 $0xFFFFFFFF  }
0xa6: {  	s26 =	simm.s32 $execute0_lowered;
	[smem:$0x3FD2] =	sst s25  }
0xa7: {  	s6 =	sshll.u32 s26, $0x1;
	_ =	strace $0x80000046;
	[dreg:$0x1] =	wrdreg $0xFFFFFFFF  }
0xa8: {  	s28 =	simm.s32 $_size_execute0_lowered;
	s4 =	sadd.s32 s4, s6;
	[dreg:$0x0] =	wrdreg $0x0  }
0xa9: {  	s6 =	sshll.u32 s28, $0x1;
	[dreg:$0x2] =	wrdreg s4  }
0xaa: {  	[dreg:$0x3] =	wrdreg s6  }
0xab: {  	[dreg:$0x4] =	wrdreg $0xC0  }
0xac: {  	_ =	task [dreg:s8], $0x5FFFF  }
0xad: {  	[dreg:$0x1] =	wrdreg $0xFFFFFFFF  }
0xae: {  	[dreg:$0x0] =	wrdreg $0x60  }
0xaf: {  	[dreg:$0x2] =	wrdreg s2  }
0xb0: {  	[dreg:$0x3] =	wrdreg s24  }
0xb1: {  	[dreg:$0x4] =	wrdreg s18  }
0xb2: {  	[dreg:$0x5] =	wrdreg $0x9  }
0xb3: {  	_ =	task.clear_ibuf [dreg:s8], $0x6FFFF;
	_ =	strace $0x90000046  }
0xb4: {  	s29 =	simm.s32 $0x9;
	_ =	strace $0x80000048  }
0xb5: {  	_ =	swait.ge [sflag:s29], $0x1  }
0xb6: {  	[sflag:s29] =	ssyncadd.s32 $0xFFFFFFFF  }
0xb7: {  	_ =	strace $0x90000048  }
0xb8: {  	_ =	sfence  }
0xb9: {  	s30 =	sld [smem:$0x0];
	_ =	sdelay $0x2  }
0xba: {  	s31 =	sshll.u32 s1, $0xD;
	s1 =	sshrl.u32 s1, $0x2  }
0xbb: {  	s3 =	sand.u32 $0x4000, s31;
	s1 =	sadd.s32 s1, s30  }
0xbc: {  	s0 =	sor.u32 s3, s0;
	s1 =	sshll.u32 s1, $0x11  }
0xbd: {  	s0 =	sor.u32 s1, s0  }
0xbe: {  	s0 =	sadd.s32 $0x8F2B, s0  }
0xbf: {  	[sflag:s0] =	ssyncadd.remote.s32 $0x1  }
0xc0: {  	_ =	sfence.sel $0xFFFF  }
0xc1: {  	[dreg:$0x0] =	wrdreg $0xFFFFFFFF;
	(pc) =	sbr.abs _section_cstart, $3  }
0xc2: {  	[dreg:$0x1] =	wrdreg $0xFFFFFFFF  }
0xc3: {  	_ =	task.clear_ibuf [dreg:s8], $0x2FFFF;
	_ =	strace $0x9FFFFFFF  }
0xc4: {  	(tm) =	ssettm $0x7FFFFFFF  }
0xc5: {  	_ =	shalt  }
tec
execute0_lowered:
.L_overlay_start_1:
0x0: {  	(tag) =	ssettag $0x1  }
0x1: {  	s1 =	rddreg [dreg:$0x0]  }
0x2: {  	s0 =	srdreg.scid;
	s6 =	rddreg [dreg:$0x1]  }
0x3: {  	s2 =	stileid.u32;
	s3 =	rddreg [dreg:$0x2]  }
0x4: {  	s5 =	simm.s32 $0x0;
	s16 =	simm.s32 $0x50;
	s24 =	simm.s32 $0xB900  }
0x5: {  	s26 =	simm.s32 $0xE100;
	s29 =	simm.s32 $0x10900;
	s31 =	simm.s32 $0x13100  }
0x6: {  	s19 =	simm.s32 $0x3;
	s21 =	simm.s32 $0x4;
	s23 =	simm.s32 $0x5  }
0x7: {  	s25 =	simm.s32 $0x6;
	s0 =	sand.u32 $0x1, s0;
	s2 =	sshll.u32 s2, $0x1  }
0x8: {  	s28 =	simm.s32 $0x7;
	s30 =	simm.s32 $0x8;
	s2 =	sor.u32 s0, s2  }
0x9: {  	s14 =	simm.s32 $0x10;
	s0 =	ssub.s32 $0x2, s0;
	s4 =	smul.u32 $0x1900, s2  }
0xa: {  	s15 =	simm.s32 $0x0;
	[smem:$0x7FF] =	sst s5;
	s7 =	sshrl.u32 s0, $0x1  }
0xb: {  	_ =	strace $0x80000047;
	s0 =	ssub.s32 s0, s7;
	s2 =	sshrl.u32 s4, $0x3  }
.Ltmp0:
0xc: {  	s7 =	sor.u32 $0x50, s4;
	s8 =	sor.u32 $0xA0, s4;
	(pc) =	sbr.rel .LBB2_1-.Ltmp0, $4  }
0xd: {  	s9 =	sor.u32 $0xF0, s4;
	s10 =	sadd.s32 $0x140, s4;
	s11 =	sadd.s32 $0x190, s4  }
0xe: {  	s12 =	sadd.s32 $0x1E0, s4;
	s0 =	smax.u32 s0, $0x1;
	s2 =	sadd.s32 s2, s6  }
0xf: {  	s13 =	sadd.s32 $0x230, s4;
	[dreg:$0x5] =	wrdreg s0;
	s2 =	sadd.s32 $0x400, s2  }
0x10: {  	s0 =	simm.s32 $0x2;
	[dreg:$0x4] =	wrdreg s2;
	s2 =	simm.s32 $0x1  }
.LBB2_20:
0x11: {  	s6 =	simm.s32 $0x9  }
0x12: {  	_ =	swait.ge [sflag:s6], $0x2800  }
0x13: {  	[sflag:s6] =	ssyncset.done $0x0  }
0x14: {  	s20 =	simm.s32 $0xA;
	[sflag:s6] =	ssyncadd.s32 $0xFFFFD800  }
0x15: {  	_ =	swait.ge [sflag:s20], $0x2800  }
0x16: {  	[sflag:s20] =	ssyncset.done $0x0  }
0x17: {  	s22 =	simm.s32 $0xB;
	[sflag:s20] =	ssyncadd.s32 $0xFFFFD800  }
0x18: {  	_ =	swait.ge [sflag:s22], $0x2800  }
0x19: {  	[sflag:s22] =	ssyncset.done $0x0  }
0x1a: {  	s15 =	simm.s32 $0xC;
	[sflag:s22] =	ssyncadd.s32 $0xFFFFD800  }
0x1b: {  	_ =	swait.ge [sflag:s15], $0x2800  }
0x1c: {  	[sflag:s15] =	ssyncset.done $0x0  }
0x1d: {  	s17 =	simm.s32 $0xD;
	[sflag:s15] =	ssyncadd.s32 $0xFFFFD800  }
0x1e: {  	_ =	swait.ge [sflag:s17], $0x2800  }
0x1f: {  	[sflag:s17] =	ssyncset.done $0x0  }
0x20: {  	s18 =	simm.s32 $0xE;
	[sflag:s17] =	ssyncadd.s32 $0xFFFFD800  }
0x21: {  	_ =	swait.ge [sflag:s18], $0x2800  }
0x22: {  	[sflag:s18] =	ssyncset.done $0x0  }
0x23: {  	s20 =	simm.s32 $0xF;
	[sflag:s18] =	ssyncadd.s32 $0xFFFFD800  }
0x24: {  	_ =	swait.ge [sflag:s20], $0x2800  }
0x25: {  	[sflag:s20] =	ssyncset.done $0x0  }
0x26: {  	[sflag:s20] =	ssyncadd.s32 $0xFFFFD800  }
0x27: {  	_ =	swait.ge [sflag:s14], $0x2800  }
0x28: {  	s15 =	rddreg [dreg:$0x6]  }
0x29: {  	s22 =	rddreg [dreg:$0x5];
	s15 =	sadd.s32 $0x1, s15  }
0x2a: {  	p0 =	sne.s32 s15, s22  }
.Ltmp1:
0x2b: {  	_ = 	snop;
	(pc) =	sbr.rel @!p0 .LBB2_21-.Ltmp1, $3  }
0x2c: {  	_ =	sdelay $0x1  }
0x2d: {  	[sflag:s14] =	ssyncset.done $0x0  }
0x2e: {  	[sflag:s14] =	ssyncadd.s32 $0xFFFFD800  }
.LBB2_1:
0x2f: {  	[dreg:$0x6] =	wrdreg s15  }
0x30: {  	s6 =	rddreg [dreg:$0x4];
	s20 =	simm.s32 $0x11  }
0x31: {  	[tilespmem:s5], [sflag:$0x11] =	stream.linear.gather [hbm4b:s6+s5], $0x1900, $0x38;
	[tilespmem:$0x15900] =	vst v63  }
0x32: {  	_ =	swait.ge [sflag:s20], $0x1900  }
0x33: {  	[sflag:s20] =	ssyncset.done $0x0  }
0x34: {  	s22 =	simm.s32 $0x1900;
	[sflag:s20] =	ssyncadd.s32 $0xFFFFE700  }
0x35: {  	[tilespmem:s22], [sflag:$0x1] =	stream.indirect.gather [hbm4b:s1+s16], $0x80, s5, s16, $0xb8;
	[tilespmem:$0x15900] =	vst v63  }
0x36: {  	s15 =	simm.s32 $0x4100  }
0x37: {  	[tilespmem:s15], [sflag:$0x2] =	stream.indirect.gather [hbm4b:s1+s16], $0x80, s16, s16, $0xb8;
	[tilespmem:$0x15900] =	vst v63  }
0x38: {  	s17 =	simm.s32 $0xA0;
	s18 =	simm.s32 $0x6900  }
0x39: {  	[tilespmem:s18], [sflag:$0x3] =	stream.indirect.gather [hbm4b:s1+s16], $0x80, s17, s16, $0xb8;
	[tilespmem:$0x15900] =	vst v63  }
0x3a: {  	s20 =	simm.s32 $0xF0;
	s22 =	simm.s32 $0x9100  }
0x3b: {  	[tilespmem:s22], [sflag:$0x4] =	stream.indirect.gather [hbm4b:s1+s16], $0x80, s20, s16, $0xb8;
	[tilespmem:$0x15900] =	vst v63  }
0x3c: {  	s17 =	simm.s32 $0x140  }
0x3d: {  	[tilespmem:s24], [sflag:$0x5] =	stream.indirect.gather [hbm4b:s1+s16], $0x80, s17, s16, $0xb8;
	[tilespmem:$0x15900] =	vst v63  }
0x3e: {  	s18 =	simm.s32 $0x190  }
0x3f: {  	[tilespmem:s26], [sflag:$0x6] =	stream.indirect.gather [hbm4b:s1+s16], $0x80, s18, s16, $0xb8;
	[tilespmem:$0x15900] =	vst v63  }
0x40: {  	s20 =	simm.s32 $0x1E0  }
0x41: {  	[tilespmem:s29], [sflag:$0x7] =	stream.indirect.gather [hbm4b:s1+s16], $0x80, s20, s16, $0xb8;
	[tilespmem:$0x15900] =	vst v63  }
0x42: {  	s6 =	simm.s32 $0x0;
	s22 =	simm.s32 $0x230  }
0x43: {  	[tilespmem:s31], [sflag:$0x8] =	stream.indirect.gather [hbm4b:s1+s16], $0x80, s22, s16, $0xb8;
	[tilespmem:$0x15900] =	vst v63  }
.LBB2_2:
0x44: {  	_ =	swait.ge [sflag:s2], $0x2800  }
0x45: {  	[sflag:s2] =	ssyncset.done $0x0  }
0x46: {  	s17 =	simm.s32 $0x0;
	[sflag:s2] =	ssyncadd.s32 $0xFFFFD800  }
0x47: {  	v2 =	vld [tilespmem:s17+$0x1900]  }
0x48: {  	v5 =	vld [tilespmem:s17+$0x1910]  }
0x49: {  	v4 =	vld [tilespmem:s17+$0x1920]  }
0x4a: {  	v3 =	vld [tilespmem:s17+$0x1930]  }
0x4b: {  	v0 =	vld [tilespmem:s17+$0x1940]  }
0x4c: {  	v1 =	vld [tilespmem:s17+$0x1950];
	v6 =	vmul.f32 $1.131370830e+01, v2  }
0x4d: {  	s15 =	simm.s32 $0x200;
	v5 =	vmul.f32 $1.131370830e+01, v5;
	v2 =	vld [tilespmem:s17+$0x1960]  }
.LBB2_3:
0x4e: {  	s18 =	sshra.s32 s15, $0x2;
	p0 =	sne.s32 s15, $0x9E00;
	[tilespmem:s17+$0x1900] =	vst v6;
	v4 =	vmul.f32 $1.131370830e+01, v4;
	v6 =	vld [tilespmem:s17+$0x1970]  }
0x4f: {  	v7 =	vld [tilespmem:s18+$0x1900];
	[tilespmem:s17+$0x1910] =	vst v5;
	v3 =	vmul.f32 $1.131370830e+01, v3  }
0x50: {  	v5 =	vld [tilespmem:s18+$0x1910];
	[tilespmem:s17+$0x1920] =	vst v4;
	v0 =	vmul.f32 $1.131370830e+01, v0  }
.Ltmp2:
0x51: {  	v4 =	vld [tilespmem:s18+$0x1920];
	[tilespmem:s17+$0x1930] =	vst v3;
	v1 =	vmul.f32 $1.131370830e+01, v1;
	(pc) =	sbr.rel @p0 .LBB2_3-.Ltmp2, $4  }
0x52: {  	v3 =	vld [tilespmem:s18+$0x1930];
	[tilespmem:s17+$0x1940] =	vst v0;
	v2 =	vmul.f32 $1.131370830e+01, v2  }
0x53: {  	v0 =	vld [tilespmem:s18+$0x1940];
	[tilespmem:s17+$0x1950] =	vst v1;
	v8 =	vmul.f32 $1.131370830e+01, v6  }
0x54: {  	v6 =	vmul.f32 $1.131370830e+01, v7;
	v1 =	vld [tilespmem:s18+$0x1950];
	[tilespmem:s17+$0x1960] =	vst v2  }
0x55: {  	s15 =	sadd.s32 $0x200, s15;
	v5 =	vmul.f32 $1.131370830e+01, v5;
	v2 =	vld [tilespmem:s18+$0x1960];
	[tilespmem:s17+$0x1970] =	vst v8;
	s17 =	smov.u32 s18  }
0x56: {  	[tilespmem:s17+$0x1900] =	vst v6;
	v4 =	vmul.f32 $1.131370830e+01, v4;
	v6 =	vld [tilespmem:s17+$0x1970]  }
0x57: {  	[tilespmem:s17+$0x1910] =	vst v5;
	v3 =	vmul.f32 $1.131370830e+01, v3  }
0x58: {  	[tilespmem:s17+$0x1920] =	vst v4;
	v0 =	vmul.f32 $1.131370830e+01, v0  }
0x59: {  	s15 =	smul.u32 $0x280, s6;
	[tilespmem:s17+$0x1930] =	vst v3;
	v1 =	vmul.f32 $1.131370830e+01, v1  }
0x5a: {  	[tilespmem:s17+$0x1940] =	vst v0;
	v0 =	vmul.f32 $1.131370830e+01, v2  }
0x5b: {  	s18 =	sadd.s32 s4, s15;
	[tilespmem:s17+$0x1950] =	vst v1;
	v1 =	vmul.f32 $1.131370830e+01, v6  }
0x5c: {  	p0 =	seq.s32 s6, $0x9;
	s18 =	sshll.u32 s18, $0x4;
	[tilespmem:s17+$0x1960] =	vst v0  }
0x5d: {  	s22 =	simm.s32 $0x1900;
	s20 =	sadd.s32 s3, s18;
	[tilespmem:s17+$0x1970] =	vst v1;
	s17 =	simm.s32 @!p0 $0x9  }
0x5e: {  	[hbm4b:s20+s5] =	stream.linear.scatter [tilespmem:s22], [sflag:$0x9], $0x2800, $0x38;
	[tilespmem:$0x15900] =	vst v63  }
0x5f: {  	s18 =	smul.u32 @!p0 $0xA00, s6;
	_ =	swait.ge @!p0 [sflag:s17], $0x2800  }
0x60: {  	[sflag:s17] =	ssyncset.done @!p0 $0x0  }
0x61: {  	[sflag:s17] =	ssyncadd.s32 @!p0 $0xFFFFD800;
	s17 =	sshra.s32 @!p0 s18, $0x2  }
0x62: {  	s20 =	simm.s32 @!p0 $0x50;
	s22 =	simm.s32 @!p0 $0x1900;
	s18 =	sadd.s32 @!p0 $0x280, s17  }
0x63: {  	[tilespmem:s22], [sflag:$0x1] =	stream.indirect.gather @!p0 [hbm4b:s1+s20], $0x80, s18, s20, $0xb8;
	[tilespmem:$0x15900] =	vst v63  }
0x64: {  	_ =	swait.ge [sflag:s0], $0x2800  }
0x65: {  	[sflag:s0] =	ssyncset.done $0x0  }
0x66: {  	s18 =	simm.s32 $0x0;
	[sflag:s0] =	ssyncadd.s32 $0xFFFFD800  }
0x67: {  	v3 =	vld [tilespmem:s18+$0x4100]  }
0x68: {  	v5 =	vld [tilespmem:s18+$0x4110]  }
0x69: {  	v4 =	vld [tilespmem:s18+$0x4120]  }
0x6a: {  	v2 =	vld [tilespmem:s18+$0x4130]  }
0x6b: {  	v0 =	vld [tilespmem:s18+$0x4140]  }
0x6c: {  	v1 =	vld [tilespmem:s18+$0x4150];
	v6 =	vmul.f32 $1.131370830e+01, v3  }
0x6d: {  	s20 =	simm.s32 $0x200;
	v5 =	vmul.f32 $1.131370830e+01, v5;
	v3 =	vld [tilespmem:s18+$0x4160]  }
.LBB2_5:
0x6e: {  	s22 =	sshra.s32 s20, $0x2;
	p1 =	sne.s32 s20, $0x9E00;
	[tilespmem:s18+$0x4100] =	vst v6;
	v4 =	vmul.f32 $1.131370830e+01, v4;
	v6 =	vld [tilespmem:s18+$0x4170]  }
0x6f: {  	v7 =	vld [tilespmem:s22+$0x4100];
	[tilespmem:s18+$0x4110] =	vst v5;
	v2 =	vmul.f32 $1.131370830e+01, v2  }
0x70: {  	v5 =	vld [tilespmem:s22+$0x4110];
	[tilespmem:s18+$0x4120] =	vst v4;
	v0 =	vmul.f32 $1.131370830e+01, v0  }
.Ltmp3:
0x71: {  	v4 =	vld [tilespmem:s22+$0x4120];
	[tilespmem:s18+$0x4130] =	vst v2;
	v1 =	vmul.f32 $1.131370830e+01, v1;
	(pc) =	sbr.rel @p1 .LBB2_5-.Ltmp3, $4  }
0x72: {  	v2 =	vld [tilespmem:s22+$0x4130];
	[tilespmem:s18+$0x4140] =	vst v0;
	v3 =	vmul.f32 $1.131370830e+01, v3  }
0x73: {  	v0 =	vld [tilespmem:s22+$0x4140];
	[tilespmem:s18+$0x4150] =	vst v1;
	v8 =	vmul.f32 $1.131370830e+01, v6  }
0x74: {  	v6 =	vmul.f32 $1.131370830e+01, v7;
	v1 =	vld [tilespmem:s22+$0x4150];
	[tilespmem:s18+$0x4160] =	vst v3  }
0x75: {  	s20 =	sadd.s32 $0x200, s20;
	v5 =	vmul.f32 $1.131370830e+01, v5;
	v3 =	vld [tilespmem:s22+$0x4160];
	[tilespmem:s18+$0x4170] =	vst v8;
	s18 =	smov.u32 s22  }
0x76: {  	[tilespmem:s18+$0x4100] =	vst v6;
	v4 =	vmul.f32 $1.131370830e+01, v4;
	v6 =	vld [tilespmem:s18+$0x4170]  }
0x77: {  	[tilespmem:s18+$0x4110] =	vst v5;
	v2 =	vmul.f32 $1.131370830e+01, v2  }
0x78: {  	[tilespmem:s18+$0x4120] =	vst v4;
	v0 =	vmul.f32 $1.131370830e+01, v0  }
0x79: {  	[tilespmem:s18+$0x4130] =	vst v2;
	v1 =	vmul.f32 $1.131370830e+01, v1  }
0x7a: {  	[tilespmem:s18+$0x4140] =	vst v0;
	v0 =	vmul.f32 $1.131370830e+01, v3  }
0x7b: {  	s20 =	sadd.s32 s15, s7;
	[tilespmem:s18+$0x4150] =	vst v1;
	v1 =	vmul.f32 $1.131370830e+01, v6  }
0x7c: {  	s20 =	sshll.u32 s20, $0x4;
	[tilespmem:s18+$0x4160] =	vst v0  }
0x7d: {  	s22 =	simm.s32 $0x4100;
	s20 =	sadd.s32 s3, s20;
	[tilespmem:s18+$0x4170] =	vst v1;
	s18 =	simm.s32 @!p0 $0xA  }
0x7e: {  	[hbm4b:s20+s5] =	stream.linear.scatter [tilespmem:s22], [sflag:$0xA], $0x2800, $0x38;
	[tilespmem:$0x15900] =	vst v63  }
0x7f: {  	_ =	swait.ge @!p0 [sflag:s18], $0x2800  }
0x80: {  	s20 =	simm.s32 @!p0 $0x50;
	[sflag:s18] =	ssyncset.done @!p0 $0x0  }
0x81: {  	s22 =	simm.s32 @!p0 $0x4100;
	[sflag:s18] =	ssyncadd.s32 @!p0 $0xFFFFD800;
	s18 =	sadd.s32 @!p0 $0x2D0, s17  }
0x82: {  	[tilespmem:s22], [sflag:$0x2] =	stream.indirect.gather @!p0 [hbm4b:s1+s20], $0x80, s18, s20, $0xb8;
	[tilespmem:$0x15900] =	vst v63  }
0x83: {  	_ =	swait.ge [sflag:s19], $0x2800  }
0x84: {  	[sflag:s19] =	ssyncset.done $0x0  }
0x85: {  	s18 =	simm.s32 $0x0;
	[sflag:s19] =	ssyncadd.s32 $0xFFFFD800  }
0x86: {  	v3 =	vld [tilespmem:s18+$0x6900]  }
0x87: {  	v5 =	vld [tilespmem:s18+$0x6910]  }
0x88: {  	v4 =	vld [tilespmem:s18+$0x6920]  }
0x89: {  	v2 =	vld [tilespmem:s18+$0x6930]  }
0x8a: {  	v0 =	vld [tilespmem:s18+$0x6940]  }
0x8b: {  	v1 =	vld [tilespmem:s18+$0x6950];
	v6 =	vmul.f32 $1.131370830e+01, v3  }
0x8c: {  	s20 =	simm.s32 $0x200;
	v5 =	vmul.f32 $1.131370830e+01, v5;
	v3 =	vld [tilespmem:s18+$0x6960]  }
.LBB2_7:
0x8d: {  	s22 =	sshra.s32 s20, $0x2;
	p1 =	sne.s32 s20, $0x9E00;
	[tilespmem:s18+$0x6900] =	vst v6;
	v4 =	vmul.f32 $1.131370830e+01, v4;
	v6 =	vld [tilespmem:s18+$0x6970]  }
0x8e: {  	v7 =	vld [tilespmem:s22+$0x6900];
	[tilespmem:s18+$0x6910] =	vst v5;
	v2 =	vmul.f32 $1.131370830e+01, v2  }
0x8f: {  	v5 =	vld [tilespmem:s22+$0x6910];
	[tilespmem:s18+$0x6920] =	vst v4;
	v0 =	vmul.f32 $1.131370830e+01, v0  }
.Ltmp4:
0x90: {  	v4 =	vld [tilespmem:s22+$0x6920];
	[tilespmem:s18+$0x6930] =	vst v2;
	v1 =	vmul.f32 $1.131370830e+01, v1;
	(pc) =	sbr.rel @p1 .LBB2_7-.Ltmp4, $4  }
0x91: {  	v2 =	vld [tilespmem:s22+$0x6930];
	[tilespmem:s18+$0x6940] =	vst v0;
	v3 =	vmul.f32 $1.131370830e+01, v3  }
0x92: {  	v0 =	vld [tilespmem:s22+$0x6940];
	[tilespmem:s18+$0x6950] =	vst v1;
	v8 =	vmul.f32 $1.131370830e+01, v6  }
0x93: {  	v6 =	vmul.f32 $1.131370830e+01, v7;
	v1 =	vld [tilespmem:s22+$0x6950];
	[tilespmem:s18+$0x6960] =	vst v3  }
0x94: {  	s20 =	sadd.s32 $0x200, s20;
	v5 =	vmul.f32 $1.131370830e+01, v5;
	v3 =	vld [tilespmem:s22+$0x6960];
	[tilespmem:s18+$0x6970] =	vst v8;
	s18 =	smov.u32 s22  }
0x95: {  	[tilespmem:s18+$0x6900] =	vst v6;
	v4 =	vmul.f32 $1.131370830e+01, v4;
	v6 =	vld [tilespmem:s18+$0x6970]  }
0x96: {  	[tilespmem:s18+$0x6910] =	vst v5;
	v2 =	vmul.f32 $1.131370830e+01, v2  }
0x97: {  	[tilespmem:s18+$0x6920] =	vst v4;
	v0 =	vmul.f32 $1.131370830e+01, v0  }
0x98: {  	[tilespmem:s18+$0x6930] =	vst v2;
	v1 =	vmul.f32 $1.131370830e+01, v1  }
0x99: {  	[tilespmem:s18+$0x6940] =	vst v0;
	v0 =	vmul.f32 $1.131370830e+01, v3  }
0x9a: {  	s20 =	sadd.s32 s15, s8;
	[tilespmem:s18+$0x6950] =	vst v1;
	v1 =	vmul.f32 $1.131370830e+01, v6  }
0x9b: {  	s20 =	sshll.u32 s20, $0x4;
	[tilespmem:s18+$0x6960] =	vst v0  }
0x9c: {  	s22 =	simm.s32 $0x6900;
	s20 =	sadd.s32 s3, s20;
	[tilespmem:s18+$0x6970] =	vst v1;
	s18 =	simm.s32 @!p0 $0xB  }
0x9d: {  	[hbm4b:s20+s5] =	stream.linear.scatter [tilespmem:s22], [sflag:$0xB], $0x2800, $0x38;
	[tilespmem:$0x15900] =	vst v63  }
0x9e: {  	_ =	swait.ge @!p0 [sflag:s18], $0x2800  }
0x9f: {  	s20 =	simm.s32 @!p0 $0x50;
	[sflag:s18] =	ssyncset.done @!p0 $0x0  }
0xa0: {  	s22 =	simm.s32 @!p0 $0x6900;
	[sflag:s18] =	ssyncadd.s32 @!p0 $0xFFFFD800;
	s18 =	sadd.s32 @!p0 $0x320, s17  }
0xa1: {  	[tilespmem:s22], [sflag:$0x3] =	stream.indirect.gather @!p0 [hbm4b:s1+s20], $0x80, s18, s20, $0xb8;
	[tilespmem:$0x15900] =	vst v63  }
0xa2: {  	_ =	swait.ge [sflag:s21], $0x2800  }
0xa3: {  	[sflag:s21] =	ssyncset.done $0x0  }
0xa4: {  	s18 =	simm.s32 $0x0;
	[sflag:s21] =	ssyncadd.s32 $0xFFFFD800  }
0xa5: {  	v3 =	vld [tilespmem:s18+$0x9100]  }
0xa6: {  	v5 =	vld [tilespmem:s18+$0x9110]  }
0xa7: {  	v4 =	vld [tilespmem:s18+$0x9120]  }
0xa8: {  	v2 =	vld [tilespmem:s18+$0x9130]  }
0xa9: {  	v0 =	vld [tilespmem:s18+$0x9140]  }
0xaa: {  	v1 =	vld [tilespmem:s18+$0x9150];
	v6 =	vmul.f32 $1.131370830e+01, v3  }
0xab: {  	s20 =	simm.s32 $0x200;
	v5 =	vmul.f32 $1.131370830e+01, v5;
	v3 =	vld [tilespmem:s18+$0x9160]  }
.LBB2_9:
0xac: {  	s22 =	sshra.s32 s20, $0x2;
	p1 =	sne.s32 s20, $0x9E00;
	[tilespmem:s18+$0x9100] =	vst v6;
	v4 =	vmul.f32 $1.131370830e+01, v4;
	v6 =	vld [tilespmem:s18+$0x9170]  }
0xad: {  	v7 =	vld [tilespmem:s22+$0x9100];
	[tilespmem:s18+$0x9110] =	vst v5;
	v2 =	vmul.f32 $1.131370830e+01, v2  }
0xae: {  	v5 =	vld [tilespmem:s22+$0x9110];
	[tilespmem:s18+$0x9120] =	vst v4;
	v0 =	vmul.f32 $1.131370830e+01, v0  }
.Ltmp5:
0xaf: {  	v4 =	vld [tilespmem:s22+$0x9120];
	[tilespmem:s18+$0x9130] =	vst v2;
	v1 =	vmul.f32 $1.131370830e+01, v1;
	(pc) =	sbr.rel @p1 .LBB2_9-.Ltmp5, $4  }
0xb0: {  	v2 =	vld [tilespmem:s22+$0x9130];
	[tilespmem:s18+$0x9140] =	vst v0;
	v3 =	vmul.f32 $1.131370830e+01, v3  }
0xb1: {  	v0 =	vld [tilespmem:s22+$0x9140];
	[tilespmem:s18+$0x9150] =	vst v1;
	v8 =	vmul.f32 $1.131370830e+01, v6  }
0xb2: {  	v6 =	vmul.f32 $1.131370830e+01, v7;
	v1 =	vld [tilespmem:s22+$0x9150];
	[tilespmem:s18+$0x9160] =	vst v3  }
0xb3: {  	s20 =	sadd.s32 $0x200, s20;
	v5 =	vmul.f32 $1.131370830e+01, v5;
	v3 =	vld [tilespmem:s22+$0x9160];
	[tilespmem:s18+$0x9170] =	vst v8;
	s18 =	smov.u32 s22  }
0xb4: {  	[tilespmem:s18+$0x9100] =	vst v6;
	v4 =	vmul.f32 $1.131370830e+01, v4;
	v6 =	vld [tilespmem:s18+$0x9170]  }
0xb5: {  	[tilespmem:s18+$0x9110] =	vst v5;
	v2 =	vmul.f32 $1.131370830e+01, v2  }
0xb6: {  	[tilespmem:s18+$0x9120] =	vst v4;
	v0 =	vmul.f32 $1.131370830e+01, v0  }
0xb7: {  	[tilespmem:s18+$0x9130] =	vst v2;
	v1 =	vmul.f32 $1.131370830e+01, v1  }
0xb8: {  	[tilespmem:s18+$0x9140] =	vst v0;
	v0 =	vmul.f32 $1.131370830e+01, v3  }
0xb9: {  	s20 =	sadd.s32 s15, s9;
	[tilespmem:s18+$0x9150] =	vst v1;
	v1 =	vmul.f32 $1.131370830e+01, v6  }
0xba: {  	s20 =	sshll.u32 s20, $0x4;
	[tilespmem:s18+$0x9160] =	vst v0  }
0xbb: {  	s22 =	simm.s32 $0x9100;
	s20 =	sadd.s32 s3, s20;
	[tilespmem:s18+$0x9170] =	vst v1;
	s18 =	simm.s32 @!p0 $0xC  }
0xbc: {  	[hbm4b:s20+s5] =	stream.linear.scatter [tilespmem:s22], [sflag:$0xC], $0x2800, $0x38;
	[tilespmem:$0x15900] =	vst v63  }
0xbd: {  	_ =	swait.ge @!p0 [sflag:s18], $0x2800  }
0xbe: {  	s20 =	simm.s32 @!p0 $0x50;
	[sflag:s18] =	ssyncset.done @!p0 $0x0  }
0xbf: {  	s22 =	simm.s32 @!p0 $0x9100;
	[sflag:s18] =	ssyncadd.s32 @!p0 $0xFFFFD800;
	s18 =	sadd.s32 @!p0 $0x370, s17  }
0xc0: {  	[tilespmem:s22], [sflag:$0x4] =	stream.indirect.gather @!p0 [hbm4b:s1+s20], $0x80, s18, s20, $0xb8;
	[tilespmem:$0x15900] =	vst v63  }
0xc1: {  	_ =	swait.ge [sflag:s23], $0x2800  }
0xc2: {  	[sflag:s23] =	ssyncset.done $0x0  }
0xc3: {  	s18 =	simm.s32 $0x0;
	[sflag:s23] =	ssyncadd.s32 $0xFFFFD800  }
0xc4: {  	v3 =	vld [tilespmem:s18+$0xB900]  }
0xc5: {  	v5 =	vld [tilespmem:s18+$0xB910]  }
0xc6: {  	v4 =	vld [tilespmem:s18+$0xB920]  }
0xc7: {  	v2 =	vld [tilespmem:s18+$0xB930]  }
0xc8: {  	v0 =	vld [tilespmem:s18+$0xB940]  }
0xc9: {  	v1 =	vld [tilespmem:s18+$0xB950];
	v6 =	vmul.f32 $1.131370830e+01, v3  }
0xca: {  	s20 =	simm.s32 $0x200;
	v5 =	vmul.f32 $1.131370830e+01, v5;
	v3 =	vld [tilespmem:s18+$0xB960]  }
.LBB2_11:
0xcb: {  	s22 =	sshra.s32 s20, $0x2;
	p1 =	sne.s32 s20, $0x9E00;
	[tilespmem:s18+$0xB900] =	vst v6;
	v4 =	vmul.f32 $1.131370830e+01, v4;
	v6 =	vld [tilespmem:s18+$0xB970]  }
0xcc: {  	v7 =	vld [tilespmem:s22+$0xB900];
	[tilespmem:s18+$0xB910] =	vst v5;
	v2 =	vmul.f32 $1.131370830e+01, v2  }
0xcd: {  	v5 =	vld [tilespmem:s22+$0xB910];
	[tilespmem:s18+$0xB920] =	vst v4;
	v0 =	vmul.f32 $1.131370830e+01, v0  }
.Ltmp6:
0xce: {  	v4 =	vld [tilespmem:s22+$0xB920];
	[tilespmem:s18+$0xB930] =	vst v2;
	v1 =	vmul.f32 $1.131370830e+01, v1;
	(pc) =	sbr.rel @p1 .LBB2_11-.Ltmp6, $4  }
0xcf: {  	v2 =	vld [tilespmem:s22+$0xB930];
	[tilespmem:s18+$0xB940] =	vst v0;
	v3 =	vmul.f32 $1.131370830e+01, v3  }
0xd0: {  	v0 =	vld [tilespmem:s22+$0xB940];
	[tilespmem:s18+$0xB950] =	vst v1;
	v8 =	vmul.f32 $1.131370830e+01, v6  }
0xd1: {  	v6 =	vmul.f32 $1.131370830e+01, v7;
	v1 =	vld [tilespmem:s22+$0xB950];
	[tilespmem:s18+$0xB960] =	vst v3  }
0xd2: {  	s20 =	sadd.s32 $0x200, s20;
	v5 =	vmul.f32 $1.131370830e+01, v5;
	v3 =	vld [tilespmem:s22+$0xB960];
	[tilespmem:s18+$0xB970] =	vst v8;
	s18 =	smov.u32 s22  }
0xd3: {  	[tilespmem:s18+$0xB900] =	vst v6;
	v4 =	vmul.f32 $1.131370830e+01, v4;
	v6 =	vld [tilespmem:s18+$0xB970]  }
0xd4: {  	[tilespmem:s18+$0xB910] =	vst v5;
	v2 =	vmul.f32 $1.131370830e+01, v2  }
0xd5: {  	[tilespmem:s18+$0xB920] =	vst v4;
	v0 =	vmul.f32 $1.131370830e+01, v0  }
0xd6: {  	[tilespmem:s18+$0xB930] =	vst v2;
	v1 =	vmul.f32 $1.131370830e+01, v1  }
0xd7: {  	[tilespmem:s18+$0xB940] =	vst v0;
	v0 =	vmul.f32 $1.131370830e+01, v3  }
0xd8: {  	s20 =	sadd.s32 s15, s10;
	[tilespmem:s18+$0xB950] =	vst v1;
	v1 =	vmul.f32 $1.131370830e+01, v6  }
0xd9: {  	s20 =	sshll.u32 s20, $0x4;
	[tilespmem:s18+$0xB960] =	vst v0  }
0xda: {  	s22 =	sadd.s32 s3, s20;
	[tilespmem:s18+$0xB970] =	vst v1;
	s18 =	simm.s32 @!p0 $0xD  }
0xdb: {  	[hbm4b:s22+s5] =	stream.linear.scatter [tilespmem:s24], [sflag:$0xD], $0x2800, $0x38;
	[tilespmem:$0x15900] =	vst v63  }
0xdc: {  	_ =	swait.ge @!p0 [sflag:s18], $0x2800  }
0xdd: {  	s20 =	simm.s32 @!p0 $0x50;
	[sflag:s18] =	ssyncset.done @!p0 $0x0  }
0xde: {  	s22 =	simm.s32 @!p0 $0xB900;
	[sflag:s18] =	ssyncadd.s32 @!p0 $0xFFFFD800;
	s18 =	sadd.s32 @!p0 $0x3C0, s17  }
0xdf: {  	[tilespmem:s22], [sflag:$0x5] =	stream.indirect.gather @!p0 [hbm4b:s1+s20], $0x80, s18, s20, $0xb8;
	[tilespmem:$0x15900] =	vst v63  }
0xe0: {  	_ =	swait.ge [sflag:s25], $0x2800  }
0xe1: {  	[sflag:s25] =	ssyncset.done $0x0  }
0xe2: {  	s18 =	simm.s32 $0x0;
	[sflag:s25] =	ssyncadd.s32 $0xFFFFD800  }
0xe3: {  	v3 =	vld [tilespmem:s18+$0xE100]  }
0xe4: {  	v5 =	vld [tilespmem:s18+$0xE110]  }
0xe5: {  	v4 =	vld [tilespmem:s18+$0xE120]  }
0xe6: {  	v2 =	vld [tilespmem:s18+$0xE130]  }
0xe7: {  	v0 =	vld [tilespmem:s18+$0xE140]  }
0xe8: {  	v1 =	vld [tilespmem:s18+$0xE150];
	v6 =	vmul.f32 $1.131370830e+01, v3  }
0xe9: {  	s20 =	simm.s32 $0x200;
	v5 =	vmul.f32 $1.131370830e+01, v5;
	v3 =	vld [tilespmem:s18+$0xE160]  }
.LBB2_13:
0xea: {  	s22 =	sshra.s32 s20, $0x2;
	p1 =	sne.s32 s20, $0x9E00;
	[tilespmem:s18+$0xE100] =	vst v6;
	v4 =	vmul.f32 $1.131370830e+01, v4;
	v6 =	vld [tilespmem:s18+$0xE170]  }
0xeb: {  	v7 =	vld [tilespmem:s22+$0xE100];
	[tilespmem:s18+$0xE110] =	vst v5;
	v2 =	vmul.f32 $1.131370830e+01, v2  }
0xec: {  	v5 =	vld [tilespmem:s22+$0xE110];
	[tilespmem:s18+$0xE120] =	vst v4;
	v0 =	vmul.f32 $1.131370830e+01, v0  }
.Ltmp7:
0xed: {  	v4 =	vld [tilespmem:s22+$0xE120];
	[tilespmem:s18+$0xE130] =	vst v2;
	v1 =	vmul.f32 $1.131370830e+01, v1;
	(pc) =	sbr.rel @p1 .LBB2_13-.Ltmp7, $4  }
0xee: {  	v2 =	vld [tilespmem:s22+$0xE130];
	[tilespmem:s18+$0xE140] =	vst v0;
	v3 =	vmul.f32 $1.131370830e+01, v3  }
0xef: {  	v0 =	vld [tilespmem:s22+$0xE140];
	[tilespmem:s18+$0xE150] =	vst v1;
	v8 =	vmul.f32 $1.131370830e+01, v6  }
0xf0: {  	v6 =	vmul.f32 $1.131370830e+01, v7;
	v1 =	vld [tilespmem:s22+$0xE150];
	[tilespmem:s18+$0xE160] =	vst v3  }
0xf1: {  	s20 =	sadd.s32 $0x200, s20;
	v5 =	vmul.f32 $1.131370830e+01, v5;
	v3 =	vld [tilespmem:s22+$0xE160];
	[tilespmem:s18+$0xE170] =	vst v8;
	s18 =	smov.u32 s22  }
0xf2: {  	[tilespmem:s18+$0xE100] =	vst v6;
	v4 =	vmul.f32 $1.131370830e+01, v4;
	v6 =	vld [tilespmem:s18+$0xE170]  }
0xf3: {  	[tilespmem:s18+$0xE110] =	vst v5;
	v2 =	vmul.f32 $1.131370830e+01, v2  }
0xf4: {  	[tilespmem:s18+$0xE120] =	vst v4;
	v0 =	vmul.f32 $1.131370830e+01, v0  }
0xf5: {  	[tilespmem:s18+$0xE130] =	vst v2;
	v1 =	vmul.f32 $1.131370830e+01, v1  }
0xf6: {  	[tilespmem:s18+$0xE140] =	vst v0;
	v0 =	vmul.f32 $1.131370830e+01, v3  }
0xf7: {  	s20 =	sadd.s32 s15, s11;
	[tilespmem:s18+$0xE150] =	vst v1;
	v1 =	vmul.f32 $1.131370830e+01, v6  }
0xf8: {  	s20 =	sshll.u32 s20, $0x4;
	[tilespmem:s18+$0xE160] =	vst v0  }
0xf9: {  	s22 =	sadd.s32 s3, s20;
	[tilespmem:s18+$0xE170] =	vst v1;
	s18 =	simm.s32 @!p0 $0xE  }
0xfa: {  	[hbm4b:s22+s5] =	stream.linear.scatter [tilespmem:s26], [sflag:$0xE], $0x2800, $0x38;
	[tilespmem:$0x15900] =	vst v63  }
0xfb: {  	_ =	swait.ge @!p0 [sflag:s18], $0x2800  }
0xfc: {  	s20 =	simm.s32 @!p0 $0x50;
	[sflag:s18] =	ssyncset.done @!p0 $0x0  }
0xfd: {  	s22 =	simm.s32 @!p0 $0xE100;
	[sflag:s18] =	ssyncadd.s32 @!p0 $0xFFFFD800;
	s18 =	sadd.s32 @!p0 $0x410, s17  }
0xfe: {  	[tilespmem:s22], [sflag:$0x6] =	stream.indirect.gather @!p0 [hbm4b:s1+s20], $0x80, s18, s20, $0xb8;
	[tilespmem:$0x15900] =	vst v63  }
0xff: {  	_ =	swait.ge [sflag:s28], $0x2800  }
0x100: {  	[sflag:s28] =	ssyncset.done $0x0  }
0x101: {  	s18 =	simm.s32 $0x0;
	[sflag:s28] =	ssyncadd.s32 $0xFFFFD800  }
0x102: {  	v3 =	vld [tilespmem:s18+$0x10900]  }
0x103: {  	v5 =	vld [tilespmem:s18+$0x10910]  }
0x104: {  	v4 =	vld [tilespmem:s18+$0x10920]  }
0x105: {  	v2 =	vld [tilespmem:s18+$0x10930]  }
0x106: {  	v0 =	vld [tilespmem:s18+$0x10940]  }
0x107: {  	v1 =	vld [tilespmem:s18+$0x10950];
	v6 =	vmul.f32 $1.131370830e+01, v3  }
0x108: {  	s20 =	simm.s32 $0x200;
	v5 =	vmul.f32 $1.131370830e+01, v5;
	v3 =	vld [tilespmem:s18+$0x10960]  }
.LBB2_15:
0x109: {  	s22 =	sshra.s32 s20, $0x2;
	p1 =	sne.s32 s20, $0x9E00;
	[tilespmem:s18+$0x10900] =	vst v6;
	v4 =	vmul.f32 $1.131370830e+01, v4;
	v6 =	vld [tilespmem:s18+$0x10970]  }
0x10a: {  	v7 =	vld [tilespmem:s22+$0x10900];
	[tilespmem:s18+$0x10910] =	vst v5;
	v2 =	vmul.f32 $1.131370830e+01, v2  }
0x10b: {  	v5 =	vld [tilespmem:s22+$0x10910];
	[tilespmem:s18+$0x10920] =	vst v4;
	v0 =	vmul.f32 $1.131370830e+01, v0  }
.Ltmp8:
0x10c: {  	v4 =	vld [tilespmem:s22+$0x10920];
	[tilespmem:s18+$0x10930] =	vst v2;
	v1 =	vmul.f32 $1.131370830e+01, v1;
	(pc) =	sbr.rel @p1 .LBB2_15-.Ltmp8, $4  }
0x10d: {  	v2 =	vld [tilespmem:s22+$0x10930];
	[tilespmem:s18+$0x10940] =	vst v0;
	v3 =	vmul.f32 $1.131370830e+01, v3  }
0x10e: {  	v0 =	vld [tilespmem:s22+$0x10940];
	[tilespmem:s18+$0x10950] =	vst v1;
	v8 =	vmul.f32 $1.131370830e+01, v6  }
0x10f: {  	v6 =	vmul.f32 $1.131370830e+01, v7;
	v1 =	vld [tilespmem:s22+$0x10950];
	[tilespmem:s18+$0x10960] =	vst v3  }
0x110: {  	s20 =	sadd.s32 $0x200, s20;
	v5 =	vmul.f32 $1.131370830e+01, v5;
	v3 =	vld [tilespmem:s22+$0x10960];
	[tilespmem:s18+$0x10970] =	vst v8;
	s18 =	smov.u32 s22  }
0x111: {  	[tilespmem:s18+$0x10900] =	vst v6;
	v4 =	vmul.f32 $1.131370830e+01, v4;
	v6 =	vld [tilespmem:s18+$0x10970]  }
0x112: {  	[tilespmem:s18+$0x10910] =	vst v5;
	v2 =	vmul.f32 $1.131370830e+01, v2  }
0x113: {  	[tilespmem:s18+$0x10920] =	vst v4;
	v0 =	vmul.f32 $1.131370830e+01, v0  }
0x114: {  	[tilespmem:s18+$0x10930] =	vst v2;
	v1 =	vmul.f32 $1.131370830e+01, v1  }
0x115: {  	[tilespmem:s18+$0x10940] =	vst v0;
	v0 =	vmul.f32 $1.131370830e+01, v3  }
0x116: {  	s20 =	sadd.s32 s15, s12;
	[tilespmem:s18+$0x10950] =	vst v1;
	v1 =	vmul.f32 $1.131370830e+01, v6  }
0x117: {  	s20 =	sshll.u32 s20, $0x4;
	[tilespmem:s18+$0x10960] =	vst v0  }
0x118: {  	s22 =	sadd.s32 s3, s20;
	[tilespmem:s18+$0x10970] =	vst v1;
	s18 =	simm.s32 @!p0 $0xF  }
0x119: {  	[hbm4b:s22+s5] =	stream.linear.scatter [tilespmem:s29], [sflag:$0xF], $0x2800, $0x38;
	[tilespmem:$0x15900] =	vst v63  }
0x11a: {  	_ =	swait.ge @!p0 [sflag:s18], $0x2800  }
0x11b: {  	s17 =	sadd.s32 @!p0 $0x460, s17;
	[sflag:s18] =	ssyncset.done @!p0 $0x0  }
0x11c: {  	s20 =	simm.s32 @!p0 $0x10900;
	[sflag:s18] =	ssyncadd.s32 @!p0 $0xFFFFD800;
	s18 =	simm.s32 @!p0 $0x50  }
0x11d: {  	[tilespmem:s20], [sflag:$0x7] =	stream.indirect.gather @!p0 [hbm4b:s1+s18], $0x80, s17, s18, $0xb8;
	[tilespmem:$0x15900] =	vst v63  }
0x11e: {  	_ =	swait.ge [sflag:s30], $0x2800  }
0x11f: {  	[sflag:s30] =	ssyncset.done $0x0  }
0x120: {  	s17 =	simm.s32 $0x0;
	[sflag:s30] =	ssyncadd.s32 $0xFFFFD800  }
0x121: {  	v3 =	vld [tilespmem:s17+$0x13100]  }
0x122: {  	v5 =	vld [tilespmem:s17+$0x13110]  }
0x123: {  	v4 =	vld [tilespmem:s17+$0x13120]  }
0x124: {  	v2 =	vld [tilespmem:s17+$0x13130]  }
0x125: {  	v0 =	vld [tilespmem:s17+$0x13140]  }
0x126: {  	v1 =	vld [tilespmem:s17+$0x13150];
	v6 =	vmul.f32 $1.131370830e+01, v3  }
0x127: {  	s18 =	simm.s32 $0x200;
	v5 =	vmul.f32 $1.131370830e+01, v5;
	v3 =	vld [tilespmem:s17+$0x13160]  }
.LBB2_17:
0x128: {  	s20 =	sshra.s32 s18, $0x2;
	p1 =	sne.s32 s18, $0x9E00;
	[tilespmem:s17+$0x13100] =	vst v6;
	v4 =	vmul.f32 $1.131370830e+01, v4;
	v6 =	vld [tilespmem:s17+$0x13170]  }
0x129: {  	v7 =	vld [tilespmem:s20+$0x13100];
	[tilespmem:s17+$0x13110] =	vst v5;
	v2 =	vmul.f32 $1.131370830e+01, v2  }
0x12a: {  	v5 =	vld [tilespmem:s20+$0x13110];
	[tilespmem:s17+$0x13120] =	vst v4;
	v0 =	vmul.f32 $1.131370830e+01, v0  }
.Ltmp9:
0x12b: {  	v4 =	vld [tilespmem:s20+$0x13120];
	[tilespmem:s17+$0x13130] =	vst v2;
	v1 =	vmul.f32 $1.131370830e+01, v1;
	(pc) =	sbr.rel @p1 .LBB2_17-.Ltmp9, $4  }
0x12c: {  	v2 =	vld [tilespmem:s20+$0x13130];
	[tilespmem:s17+$0x13140] =	vst v0;
	v3 =	vmul.f32 $1.131370830e+01, v3  }
0x12d: {  	v0 =	vld [tilespmem:s20+$0x13140];
	[tilespmem:s17+$0x13150] =	vst v1;
	v8 =	vmul.f32 $1.131370830e+01, v6  }
0x12e: {  	v6 =	vmul.f32 $1.131370830e+01, v7;
	v1 =	vld [tilespmem:s20+$0x13150];
	[tilespmem:s17+$0x13160] =	vst v3  }
0x12f: {  	s18 =	sadd.s32 $0x200, s18;
	v5 =	vmul.f32 $1.131370830e+01, v5;
	v3 =	vld [tilespmem:s20+$0x13160];
	[tilespmem:s17+$0x13170] =	vst v8;
	s17 =	smov.u32 s20  }
0x130: {  	[tilespmem:s17+$0x13100] =	vst v6;
	v4 =	vmul.f32 $1.131370830e+01, v4;
	v61 =	vld [tilespmem:s17+$0x13170]  }
0x131: {  	[tilespmem:s17+$0x13110] =	vst v5;
	v2 =	vmul.f32 $1.131370830e+01, v2  }
0x132: {  	[tilespmem:s17+$0x13120] =	vst v4;
	v0 =	vmul.f32 $1.131370830e+01, v0  }
0x133: {  	[tilespmem:s17+$0x13130] =	vst v2;
	v1 =	vmul.f32 $1.131370830e+01, v1  }
.Ltmp10:
0x134: {  	[tilespmem:s17+$0x13140] =	vst v0;
	v62 =	vmul.f32 $1.131370830e+01, v3;
	(pc) =	sbr.rel @p0 .LBB2_20-.Ltmp10, $4  }
0x135: {  	s15 =	sadd.s32 s15, s13;
	[tilespmem:s17+$0x13150] =	vst v1;
	v63 =	vmul.f32 $1.131370830e+01, v61  }
0x136: {  	s15 =	sshll.u32 s15, $0x4;
	[tilespmem:s17+$0x13160] =	vst v62  }
0x137: {  	s15 =	sadd.s32 s3, s15;
	[tilespmem:s17+$0x13170] =	vst v63  }
0x138: {  	[hbm4b:s15+s5] =	stream.linear.scatter [tilespmem:s31], [sflag:$0x10], $0x2800, $0x38;
	[tilespmem:$0x15900] =	vst v63  }
0x139: {  	s15 =	smul.u32 $0xA00, s6  }
.Ltmp11:
0x13a: {  	_ = 	snop;
	(pc) =	sbr.rel .LBB2_2-.Ltmp11, $4  }
0x13b: {  	_ =	swait.ge [sflag:s14], $0x2800  }
0x13c: {  	[sflag:s14] =	ssyncset.done $0x0;
	s15 =	sshra.s32 s15, $0x2  }
0x13d: {  	s6 =	sadd.s32 $0x1, s6;
	[sflag:s14] =	ssyncadd.s32 $0xFFFFD800;
	s15 =	sadd.s32 $0x4B0, s15  }
0x13e: {  	[tilespmem:s31], [sflag:$0x8] =	stream.indirect.gather [hbm4b:s1+s16], $0x80, s15, s16, $0xb8;
	[tilespmem:$0x15900] =	vst v63  }
.LBB2_21:
0x13f: {  	_ =	sfence.sel $0x180000  }
0x140: {  	[bflag:$0x0] =	sbarrier.arrive $0xFFFF  }
0x141: {  	_ =	strace $0x90000047  }
0x142: {  	s0 =	stileid.u32;
	[bflag:$0x2] =	sbarrier.arrive $0xFFFF  }
0x143: {  	p0 =	sne.s32 s0, $0x0;
	s0 =	rddreg [dreg:$0x3]  }
0x144: {  	s0 =	sadd.s32 @!p0 $0x100000, s0  }
0x145: {  	[sflag:s0] =	ssyncadd.tile.s32 @!p0 $0x1;
	_ =	shalt  }
.Lfunc_end2:
_tile_overlayer_lowered:
.L_overlay_start_2:
0x146: {  	(tag) =	ssettag $0x2  }
0x147: {  	s0 =	rddreg [dreg:$0x0];
	s2 =	stileid.u32  }
0x148: {  	s1 =	rddreg [dreg:$0x1];
	p0 =	sne.s32 s2, $0x0  }
0x149: {  	s3 =	rddreg [dreg:$0x2];
	[bflag:$0x3] =	sbarrier.arrive $0xFFFF;
	s2 =	simm.s32 @!p0 $0x1C11  }
0x14a: {  	[timem:s3], [sflag:s2] =	dma.local @!p0 [hbm:s0], s1  }
0x14b: {  	s0 =	simm.s32 @!p0 $0x11  }
0x14c: {  	_ =	swait.ge @!p0 [sflag:s0], s1  }
0x14d: {  	s1 =	ssub.s32 @!p0 $0x0, s1;
	[sflag:s0] =	ssyncset.done @!p0 $0x0  }
0x14e: {  	[sflag:s0] =	ssyncadd.s32 @!p0 s1  }
0x14f: {  	[bflag:$0x3] =	sbarrier.arrive $0xFFFF  }
0x150: {  	_ =	shalt  }

</sc_bundles>
